<compile_context>
chip_gen: v7x
topology: tpu7x:2x2x1
jax: 0.10.2.dev20260603
libtpu: 0.0.44.dev20260713+nightly
codegen_flags: <defaults>
</compile_context>

<pallas_src>
import functools

import numpy as np
import jax
import jax.numpy as jnp
from jax import lax
from jax.experimental import pallas as pl
from jax.experimental.pallas import tpu as pltpu
from jax.experimental.pallas import tpu_sc as plsc

_B, _V, _C = 1, 6, 256
_HID = 256
_NCLS = 10
_DBINS = 64
_KCAM = 100
_GTOPK = 200
_HPAD, _WPAD = 576.0, 1024.0
_LVL_SHAPES = ((72, 128), (36, 64), (18, 32))


def _anchors_np(grid_size=0.05, eps=0.01):
    anchors = []
    for lvl, (h, w) in enumerate(_LVL_SHAPES):
        gy, gx = np.meshgrid(np.arange(h, dtype=np.float32),
                             np.arange(w, dtype=np.float32), indexing='ij')
        grid_xy = np.stack([gx, gy], axis=-1)
        grid_xy = (grid_xy + 0.5) / np.array([w, h], dtype=np.float32)
        wh = np.ones_like(grid_xy) * np.float32(grid_size * (2.0 ** lvl))
        anchors.append(np.concatenate([grid_xy, wh], axis=-1).reshape(-1, 4))
    a = np.concatenate(anchors, axis=0).astype(np.float32)
    valid = np.all((a > eps) & (a < 1.0 - eps), axis=-1, keepdims=True)
    safe = np.clip(a, eps, 1.0 - eps).astype(np.float32)
    a = np.log(safe / (1.0 - safe)).astype(np.float32)
    a = np.where(valid, a, np.float32(10000.0))
    return a, valid.astype(np.float32)


_ANCHORS, _VALID = _anchors_np()
_HW = [h * w for h, w in _LVL_SHAPES]
_LVL_OFF = [0, _HW[0], _HW[0] + _HW[1]]
_SC_W = 12288
_KEY_NEG = int(np.int32(np.float32(-1e8).view(np.int32)) ^ np.int32(0x7FFFFFFF))
_IMIN = -2147483648


def _enc_body(with_ff, n_alias, sc_pad, x_ref, vm_ref, mln_ref, pw_ref, pb_ref,
              encw_ref, encb_ref, g_ref, b_ref, sw_ref, sb_ref,
              gw_ref, gb_ref, bw_ref, bb_ref, lg_ref, lb_ref, *rest):
    outs = rest[n_alias:]
    om_ref, sc_ref = outs[0], outs[1]
    x = x_ref[0]
    xt = x.T
    m = jnp.dot(xt, pw_ref[...], preferred_element_type=jnp.float32) + pb_ref[...]
    h = jnp.dot(m, encw_ref[...], preferred_element_type=jnp.float32) + encb_ref[...]
    mu = jnp.mean(h, axis=-1, keepdims=True)
    d = h - mu
    va = jnp.mean(d * d, axis=-1, keepdims=True)
    om = d * lax.rsqrt(va + 1e-5) * g_ref[...] + b_ref[...]
    om_ref[0] = om
    cls = jnp.dot(om, sw_ref[...], preferred_element_type=jnp.float32) + sb_ref[...]
    sc = jnp.max(cls, axis=-1)
    sc = jnp.where(vm_ref[...][:, 0] > 0.5, sc, -1e8)
    bits = lax.bitcast_convert_type(sc, jnp.int32)
    key = jnp.where(bits < 0, bits ^ jnp.int32(0x7FFFFFFF), bits)
    if sc_pad:
        t = key.shape[0]
        sc_ref[0, 0, pl.ds(0, t)] = key
        sc_ref[0, 0, pl.ds(t, sc_pad)] = jnp.full((sc_pad,), _KEY_NEG, jnp.int32)
    else:
        sc_ref[0, 0] = key
    if with_ff:
        ff_ref = outs[2]
        mu2 = jnp.mean(xt, axis=-1, keepdims=True)
        d2 = xt - mu2
        va2 = jnp.mean(d2 * d2, axis=-1, keepdims=True)
        xn = d2 * lax.rsqrt(va2 + 1e-5) * lg_ref[...] + lb_ref[...]
        mrow = mln_ref[0]
        gamma = jnp.dot(mrow, gw_ref[...],
                        preferred_element_type=jnp.float32) + gb_ref[...]
        beta = jnp.dot(mrow, bw_ref[...],
                       preferred_element_type=jnp.float32) + bb_ref[...]
        ff_ref[0] = xn * (1.0 + gamma) + beta


def _enc_level(feat, vm, mln, pw, pb, encw, encb, g, b, sw, sb,
               gw, gb, bw, bb, lg, lb, tile, with_ff, blk_off,
               sc_blk=None, sc_off=None, om_in=None, sc_in=None, ff_in=None):
    if sc_blk is None:
        sc_blk, sc_off = tile, blk_off
    """feat: (V, C, HW) one level; writes into shared full-size buffers.

    blk_off = row offset of this level in units of `tile` for the om/sc/ff
    outputs. When om_in/sc_in/ff_in are given they are aliased to the
    outputs so all levels accumulate into one allocation (no concat).
    """
    hw = feat.shape[-1]
    nt = hw // tile
    grid = (_V, nt)
    full = lambda i, j: (0, 0)
    in_specs = [
        pl.BlockSpec((1, _C, tile), lambda i, j: (i, 0, j)),
        pl.BlockSpec((tile, 1), lambda i, j: (j, 0)),
        pl.BlockSpec((1, 1, 14), lambda i, j: (i, 0, 0)),
        pl.BlockSpec((_C, _HID), full),
        pl.BlockSpec((1, _HID), full),
        pl.BlockSpec((_HID, _HID), full),
        pl.BlockSpec((1, _HID), full),
        pl.BlockSpec((1, _HID), full),
        pl.BlockSpec((1, _HID), full),
        pl.BlockSpec((_HID, _NCLS), full),
        pl.BlockSpec((1, _NCLS), full),
        pl.BlockSpec((14, _C), full),
        pl.BlockSpec((1, _C), full),
        pl.BlockSpec((14, _C), full),
        pl.BlockSpec((1, _C), full),
        pl.BlockSpec((1, _C), full),
        pl.BlockSpec((1, _C), full),
    ]
    HW_ALL = _HW[0] + _HW[1] + _HW[2]
    FF_ALL = _HW[0] + _HW[1]
    out_shapes = [
        jax.ShapeDtypeStruct((_V, HW_ALL, _HID), jnp.float32),
        jax.ShapeDtypeStruct((_V, 1, _SC_W), jnp.int32),
    ]
    out_specs = [
        pl.BlockSpec((1, tile, _HID), lambda i, j: (i, blk_off + j, 0)),
        pl.BlockSpec((1, 1, sc_blk), lambda i, j: (i, 0, sc_off + j)),
    ]
    if with_ff:
        out_shapes.append(jax.ShapeDtypeStruct((_V, FF_ALL, _C), jnp.float32))
        out_specs.append(
            pl.BlockSpec((1, tile, _C), lambda i, j: (i, blk_off + j, 0)))
    args = [feat, vm, mln, pw, pb,
            encw, encb, g, b, sw, sb, gw, gb, bw, bb, lg, lb]
    aliases = {}
    nin = len(args)
    for buf, out_idx in ((om_in, 0), (sc_in, 1), (ff_in, 2)):
        if buf is not None:
            in_specs.append(pl.BlockSpec(memory_space=pl.ANY))
            aliases[nin] = out_idx
            args.append(buf)
            nin += 1
    return pl.pallas_call(
        functools.partial(_enc_body, with_ff, len(aliases), sc_blk - tile),
        grid=grid,
        in_specs=in_specs,
        out_specs=out_specs,
        out_shape=out_shapes,
        input_output_aliases=aliases,
    )(*args)





_NCH = _SC_W // 16
_KPAD = 112


def _sc_gather_body(om_hbm, rows_hbm, out_hbm, idx_v, rows_v, sem):
    wid = lax.axis_index("c") * 16 + lax.axis_index("s")

    @pl.when(wid < _GTOPK // 8)
    def _():
        base = wid * 8
        pltpu.sync_copy(rows_hbm.at[pl.ds(base, 8)], idx_v)
        pltpu.async_copy(om_hbm.at[idx_v], rows_v, sem).wait()
        pltpu.sync_copy(rows_v, out_hbm.at[pl.ds(base, 8)])


def _sc_gather(om2d, rows):
    mesh = plsc.VectorSubcoreMesh(core_axis_name="c", subcore_axis_name="s")
    return pl.kernel(
        _sc_gather_body,
        out_type=jax.ShapeDtypeStruct((_GTOPK, _HID), jnp.float32),
        mesh=mesh,
        scratch_types=[
            pltpu.VMEM((8,), jnp.int32),
            pltpu.VMEM((8, _HID), jnp.float32),
            pltpu.SemaphoreType.DMA,
        ],
    )(om2d, rows)


def _query_body(qf_ref, anch_ref, intrf_ref, acoef_ref,
                bw1_ref, bb1_ref, bw2_ref, bb2_ref,
                dwa_ref, dwb_ref, db_ref, dbins_ref,
                cx_ref, cy_ref, cz_ref, dp_ref):
    qf = qf_ref[...]
    h1 = jnp.maximum(
        jnp.dot(qf, bw1_ref[...], preferred_element_type=jnp.float32)
        + bb1_ref[...], 0.0)
    bbox = (jnp.dot(h1, bw2_ref[...], preferred_element_type=jnp.float32)
            + bb2_ref[...] + anch_ref[...])
    rb = jax.nn.sigmoid(bbox)
    logits = (jnp.dot(qf, dwa_ref[...], preferred_element_type=jnp.float32)
              + jnp.dot(intrf_ref[...], dwb_ref[...],
                        preferred_element_type=jnp.float32)
              + db_ref[...])
    lmax = jnp.max(logits, axis=-1, keepdims=True)
    e = jnp.exp(logits - lmax)
    dp = e / jnp.sum(e, axis=-1, keepdims=True)
    dvals = dbins_ref[...]
    u = rb[:, 0:1] * _WPAD
    v = rb[:, 1:2] * _HPAD
    ud = u * dvals
    vd = v * dvals
    A = acoef_ref[...]
    cx_ref[...] = (A[:, 0:1] * ud + A[:, 1:2] * vd
                   + A[:, 2:3] * dvals + A[:, 3:4])
    cy_ref[...] = (A[:, 4:5] * ud + A[:, 5:6] * vd
                   + A[:, 6:7] * dvals + A[:, 7:8])
    cz_ref[...] = (A[:, 8:9] * ud + A[:, 9:10] * vd
                   + A[:, 10:11] * dvals + A[:, 11:12])
    dp_ref[...] = dp


def kernel(feat_s8, feat_s16, feat_s32, intrinsics, extrinsics, extrinsics_inv,
           proj_w0, proj_b0, proj_w1, proj_b1, proj_w2, proj_b2,
           enc_proj_w, enc_proj_b, enc_norm_g, enc_norm_b,
           score_w, score_b, bbox_w1, bbox_b1, bbox_w2, bbox_b2,
           depth_w, depth_b, depth_bins, pc_range,
           sa_ln_g, sa_ln_b, sa_gamma_w, sa_gamma_b, sa_beta_w, sa_beta_b):
    f8 = feat_s8.reshape(_V, _C, _HW[0])
    f16 = feat_s16.reshape(_V, _C, _HW[1])
    f32_ = feat_s32.reshape(_V, _C, _HW[2])
    intr0 = intrinsics[0]
    ext0 = extrinsics[0]
    ext_inv0 = extrinsics_inv[0]

    intr_sc = intr0 / 1000.0
    mln = jnp.concatenate(
        [intr_sc[:, 0, 0:1], intr_sc[:, 1, 1:2],
         ext0[:, :3, :].reshape(_V, 12)], axis=-1).reshape(_V, 1, 14)

    vm8 = jnp.asarray(_VALID[_LVL_OFF[0]:_LVL_OFF[0] + _HW[0]])
    vm16 = jnp.asarray(_VALID[_LVL_OFF[1]:_LVL_OFF[1] + _HW[1]])
    vm32 = jnp.asarray(_VALID[_LVL_OFF[2]:])

    r2 = lambda x: x.reshape(1, -1)
    common = (mln, )
    tail = (enc_proj_w, r2(enc_proj_b), r2(enc_norm_g), r2(enc_norm_b),
            score_w, r2(score_b),
            sa_gamma_w, r2(sa_gamma_b), sa_beta_w, r2(sa_beta_b),
            r2(sa_ln_g), r2(sa_ln_b))

    om8, sc8_, ff8 = _enc_level(f8, vm8, *common, proj_w0, r2(proj_b0),
                                *tail, tile=1536, with_ff=True, blk_off=0)
    om16, sc16_, ff16 = _enc_level(f16, vm16, *common, proj_w1, r2(proj_b1),
                                   *tail, tile=768, with_ff=True, blk_off=12,
                                   om_in=om8, sc_in=sc8_, ff_in=ff8)
    om, sc_ = _enc_level(f32_, vm32, *common, proj_w2, r2(proj_b2),
                         *tail, tile=576, with_ff=False, blk_off=20,
                         sc_blk=768, sc_off=15, om_in=om16, sc_in=sc16_)
    feat_flatten_img = ff16

    keys = sc_[:, 0, :]
    gmax = jnp.max(keys.reshape(_V, _SC_W // 16, 16), axis=-1)
    _, gsel = lax.top_k(gmax, _KCAM)
    cand = jnp.take_along_axis(
        keys.reshape(_V, _SC_W // 16, 16),
        gsel[:, :, None], axis=1).reshape(_V, _KCAM * 16)
    topk_keys, ci2 = lax.top_k(cand, _KCAM)
    gof = jnp.take_along_axis(gsel, ci2 // 16, axis=1)
    topk_ind = gof * 16 + ci2 % 16
    anchors = jnp.asarray(_ANCHORS)

    all_keys = topk_keys.reshape(-1)
    _, g_idx = lax.top_k(all_keys, _GTOPK)
    loc200 = jnp.take(topk_ind.reshape(-1), g_idx)
    cam200 = (g_idx // _KCAM).astype(jnp.int32)
    rows200 = cam200 * (_HW[0] + _HW[1] + _HW[2]) + loc200
    qf = _sc_gather(om.reshape(_V * (_HW[0] + _HW[1] + _HW[2]), _HID),
                    rows200)
    anch_sel = anchors[loc200]

    intr_inv = jnp.linalg.inv(intr0)
    M = jnp.einsum('vij,vjk->vik', ext_inv0, intr_inv)
    lo = pc_range[:3]
    rng = pc_range[3:] - lo
    A = M[:, :3, :] / rng[None, :, None]
    A = A.at[:, :, 3].add(-lo[None, :] / rng[None, :])
    A_q = A.reshape(_V, 12)[cam200]
    intr_feat = (intr0.reshape(_V, 16) * 0.01)[cam200]

    NQ = _GTOPK
    cx, cy, cz, dp = pl.pallas_call(
        _query_body,
        out_shape=[jax.ShapeDtypeStruct((NQ, _DBINS), jnp.float32)] * 4,
    )(qf, anch_sel, intr_feat, A_q,
      bbox_w1, r2(bbox_b1), bbox_w2, r2(bbox_b2),
      depth_w[:_HID], depth_w[_HID:], r2(depth_b), r2(depth_bins))

    dyn_query = jnp.stack([cx, cy, cz, dp], axis=-1)[None]
    query_feats_out = qf[None]

    spatial = jnp.array([[72, 128], [36, 64]], dtype=jnp.int32)
    lidar2img = jnp.einsum('vij,vjk->vik', intr0, ext0)[None]
    return (feat_flatten_img, spatial, lidar2img, dyn_query, query_feats_out)

# --- scband reference (transcript-rebuilt; emitter-appended) ---
"""Pipeline reference for scband-rtdetrfrom-img-feats-for-onnx-84499186581921 (READ-ONLY COPY).

The authoritative reference and input builder live on the scoring server;
editing this copy changes nothing except your own understanding.
"""

import jax, jax.numpy as jnp
import numpy as np

B, V, C = 1, 6, 256
HID = 256
NUM_CLASSES = 10
DBINS = 64
K_CAM = 100
GLOBAL_TOPK = 200
H_PAD, W_PAD = 576.0, 1024.0


def _ln(x, g, b, eps=1e-5):
    m = jnp.mean(x, axis=-1, keepdims=True)
    v = jnp.var(x, axis=-1, keepdims=True)
    return (x - m) / jnp.sqrt(v + eps) * g + b


def _generate_anchors(spatial_shapes, grid_size=0.05, eps=0.01):
    anchors = []
    for lvl, (h, w) in enumerate(spatial_shapes):
        gy, gx = jnp.meshgrid(jnp.arange(h, dtype=jnp.float32), jnp.arange(w, dtype=jnp.float32), indexing='ij')
        grid_xy = jnp.stack([gx, gy], axis=-1)
        grid_xy = (grid_xy + 0.5) / jnp.array([w, h], dtype=jnp.float32)
        wh = jnp.ones_like(grid_xy) * grid_size * (2.0 ** lvl)
        anchors.append(jnp.concatenate([grid_xy, wh], axis=-1).reshape(-1, 4))
    a = jnp.concatenate(anchors, axis=0)[None]
    valid = jnp.all((a > eps) & (a < 1.0 - eps), axis=-1, keepdims=True)
    safe = jnp.clip(a, eps, 1.0 - eps)
    a = jnp.log(safe / (1.0 - safe))
    a = jnp.where(valid, a, 10000.0)
    return a, valid


def _center2lidar(center_2d, depths, intr, ext_inv, pc_range):
    u = center_2d[:, 0:1] * depths
    v = center_2d[:, 1:2] * depths
    ones = jnp.ones_like(depths)
    pts = jnp.stack([u, v, depths, ones], axis=-1)
    intr_inv = jnp.linalg.inv(intr)
    cam = jnp.einsum('nij,ndj->ndi', intr_inv, pts)
    lidar = jnp.einsum('nij,ndj->ndi', ext_inv, cam)[..., :3]
    lo = pc_range[:3]
    hi = pc_range[3:]
    return (lidar - lo) / (hi - lo)


def setup_inputs(seed: int = 0):
    key = jax.random.key(seed)
    ks = jax.random.split(key, 32)
    inp = {}
    inp['feat_s8'] = jax.random.normal(ks[0], (B, V, C, 72, 128), jnp.float32)
    inp['feat_s16'] = jax.random.normal(ks[1], (B, V, C, 36, 64), jnp.float32)
    inp['feat_s32'] = jax.random.normal(ks[2], (B, V, C, 18, 32), jnp.float32)
    intr = np.tile(np.eye(4, dtype=np.float32), (B, V, 1, 1))
    intr[..., 0, 0] = 1000.0
    intr[..., 1, 1] = 1000.0
    intr[..., 0, 2] = 512.0
    intr[..., 1, 2] = 288.0
    inp['intrinsics'] = jnp.asarray(intr)
    ext = np.tile(np.eye(4, dtype=np.float32), (B, V, 1, 1))
    for v in range(V):
        th = 2.0 * np.pi * v / V
        c, s = np.cos(th), np.sin(th)
        ext[0, v, :3, :3] = np.array([[c, -s, 0.0], [s, c, 0.0], [0.0, 0.0, 1.0]], dtype=np.float32)
        ext[0, v, :3, 3] = np.array([0.5 * v, 0.1, 1.5], dtype=np.float32)
    inp['extrinsics'] = jnp.asarray(ext)
    inp['extrinsics_inv'] = jnp.linalg.inv(jnp.asarray(ext))
    sc = 0.02
    inp['proj_w0'] = sc * jax.random.normal(ks[3], (C, HID), jnp.float32)
    inp['proj_b0'] = jnp.zeros((HID,), jnp.float32)
    inp['proj_w1'] = sc * jax.random.normal(ks[4], (C, HID), jnp.float32)
    inp['proj_b1'] = jnp.zeros((HID,), jnp.float32)
    inp['proj_w2'] = sc * jax.random.normal(ks[5], (C, HID), jnp.float32)
    inp['proj_b2'] = jnp.zeros((HID,), jnp.float32)
    inp['enc_proj_w'] = sc * jax.random.normal(ks[6], (HID, HID), jnp.float32)
    inp['enc_proj_b'] = jnp.zeros((HID,), jnp.float32)
    inp['enc_norm_g'] = jnp.ones((HID,), jnp.float32)
    inp['enc_norm_b'] = jnp.zeros((HID,), jnp.float32)
    inp['score_w'] = sc * jax.random.normal(ks[7], (HID, NUM_CLASSES), jnp.float32)
    inp['score_b'] = jnp.zeros((NUM_CLASSES,), jnp.float32)
    inp['bbox_w1'] = sc * jax.random.normal(ks[8], (HID, HID), jnp.float32)
    inp['bbox_b1'] = jnp.zeros((HID,), jnp.float32)
    inp['bbox_w2'] = sc * jax.random.normal(ks[9], (HID, 4), jnp.float32)
    inp['bbox_b2'] = jnp.zeros((4,), jnp.float32)
    inp['depth_w'] = sc * jax.random.normal(ks[10], (HID + 16, DBINS), jnp.float32)
    inp['depth_b'] = jnp.zeros((DBINS,), jnp.float32)
    inp['depth_bins'] = jnp.linspace(1.0, 61.0, DBINS, dtype=jnp.float32)
    inp['pc_range'] = jnp.array([-51.2, -51.2, -5.0, 51.2, 51.2, 3.0], jnp.float32)
    inp['sa_ln_g'] = jnp.ones((C,), jnp.float32)
    inp['sa_ln_b'] = jnp.zeros((C,), jnp.float32)
    inp['sa_gamma_w'] = sc * jax.random.normal(ks[11], (14, C), jnp.float32)
    inp['sa_gamma_b'] = jnp.zeros((C,), jnp.float32)
    inp['sa_beta_w'] = sc * jax.random.normal(ks[12], (14, C), jnp.float32)
    inp['sa_beta_b'] = jnp.zeros((C,), jnp.float32)
    return inp


def reference(feat_s8, feat_s16, feat_s32, intrinsics, extrinsics, extrinsics_inv,
              proj_w0, proj_b0, proj_w1, proj_b1, proj_w2, proj_b2,
              enc_proj_w, enc_proj_b, enc_norm_g, enc_norm_b,
              score_w, score_b, bbox_w1, bbox_b1, bbox_w2, bbox_b2,
              depth_w, depth_b, depth_bins, pc_range,
              sa_ln_g, sa_ln_b, sa_gamma_w, sa_gamma_b, sa_beta_w, sa_beta_b):
    Bv = B * V
    enc8 = feat_s8.reshape(Bv, C, 72, 128)
    enc16 = feat_s16.reshape(Bv, C, 36, 64)
    enc32 = feat_s32.reshape(Bv, C, 18, 32)
    encoder_feats = [enc8, enc16, enc32]
    pws = [(proj_w0, proj_b0), (proj_w1, proj_b1), (proj_w2, proj_b2)]
    spatial_shapes_enc = []
    feat_list_enc = []
    for f, (pw, pb) in zip(encoder_feats, pws):
        h, w = f.shape[-2], f.shape[-1]
        flat = f.reshape(Bv, C, h * w).transpose(0, 2, 1)
        feat_list_enc.append(flat @ pw + pb)
        spatial_shapes_enc.append((h, w))
    memory = jnp.concatenate(feat_list_enc, axis=1)
    anchors, valid = _generate_anchors(spatial_shapes_enc)
    vm = valid.astype(memory.dtype)
    output_memory = _ln((memory * vm) @ enc_proj_w + enc_proj_b, enc_norm_g, enc_norm_b)
    enc_cls = output_memory @ score_w + score_b
    enc_bbox = jax.nn.relu(output_memory @ bbox_w1 + bbox_b1) @ bbox_w2 + bbox_b2 + anchors
    scores = jnp.max(enc_cls, axis=-1)
    scores = jnp.where(valid[..., 0], scores, -1e8)
    topk_scores, topk_ind = jax.lax.top_k(scores, K_CAM)
    idx_h = jnp.broadcast_to(topk_ind[:, :, None], (Bv, K_CAM, HID))
    query_feats = jnp.take_along_axis(output_memory, idx_h, axis=1)
    idx_4 = jnp.broadcast_to(topk_ind[:, :, None], (Bv, K_CAM, 4))
    ref_boxes = jax.nn.sigmoid(jnp.take_along_axis(enc_bbox, idx_4, axis=1))
    intrinsics0 = intrinsics[0]
    extrinsics0 = extrinsics[0]
    extrinsics_inv0 = extrinsics_inv[0]
    intr_per_q = jnp.broadcast_to(intrinsics0[:, None], (V, K_CAM, 4, 4)).reshape(V * K_CAM, 4, 4)
    ext_inv_per_q = jnp.broadcast_to(extrinsics_inv0[:, None], (V, K_CAM, 4, 4)).reshape(V * K_CAM, 4, 4)
    intr_feat = intr_per_q.reshape(V * K_CAM, 16) * 0.01
    qf_flat = jax.lax.stop_gradient(query_feats).reshape(V * K_CAM, HID)
    depth_input = jnp.concatenate([qf_flat, intr_feat], axis=-1)
    depth_logits = depth_input @ depth_w + depth_b
    depth_logits = jnp.nan_to_num(depth_logits, nan=0.0, posinf=1e4, neginf=-1e4)
    depth_prob = jax.nn.softmax(depth_logits.astype(jnp.float32), axis=-1)
    center_2d = jnp.stack([ref_boxes[..., 0].reshape(-1) * W_PAD, ref_boxes[..., 1].reshape(-1) * H_PAD], axis=-1)
    depth_bin_vals = jnp.broadcast_to(depth_bins[None], (V * K_CAM, DBINS))
    center_sample = _center2lidar(center_2d, depth_bin_vals, intr_per_q, ext_inv_per_q, pc_range)
    dyn_query = jnp.concatenate([center_sample, depth_prob[..., None]], axis=-1)
    all_scores = topk_scores.reshape(-1)
    _, global_indices = jax.lax.top_k(all_scores, GLOBAL_TOPK)
    dyn_query = dyn_query[global_indices]
    query_feats_out = qf_flat[global_indices]
    intr_scaled = intrinsics0 / 1000.0
    ext_3x4 = extrinsics0[:, :3, :]
    mln_input = jnp.concatenate([intr_scaled[:, 0, 0:1], intr_scaled[:, 1, 1:2], ext_3x4.reshape(V, 12)], axis=-1)[:, None]
    feat_list = []
    spatial_shapes = []
    for i in range(0, 2):
        f = encoder_feats[i]
        h, w = f.shape[-2], f.shape[-1]
        feat_list.append(f.reshape(V, C, h * w).transpose(0, 2, 1))
        spatial_shapes.append([h, w])
    feat_flatten_img = jnp.concatenate(feat_list, axis=1)
    x = _ln(feat_flatten_img, sa_ln_g, sa_ln_b)
    gamma = mln_input @ sa_gamma_w + sa_gamma_b
    beta = mln_input @ sa_beta_w + sa_beta_b
    feat_flatten_img = (x * (1.0 + gamma) + beta).astype(jnp.float32)
    spatial_flatten_img = jnp.array(spatial_shapes, dtype=jnp.int32)
    lidar2img = jnp.einsum('vij,vjk->vik', intrinsics0, extrinsics0)[None]
    return (feat_flatten_img, spatial_flatten_img, lidar2img, dyn_query[None], query_feats_out[None])

if __name__ == "__main__":
    import jax
    _d = setup_inputs()
    print(jax.jit(kernel)(*tuple(_d.values())))

</pallas_src>

<mosaic_0001>
#map = affine_map<(d0, d1) -> (0, 0)>
#map1 = affine_map<(d0, d1) -> (0)>
module attributes {stable_mosaic.version = 14 : i64} {
  func.func @_sc_gather_body(%arg0: i32, %arg1: i32, %arg2: memref<72576x256xf32, #tpu.memory_space<hbm>>, %arg3: memref<200xi32, #tpu.memory_space<hbm>>, %arg4: memref<200x256xf32, #tpu.memory_space<hbm>>, %arg5: memref<8xi32, #tpu.memory_space<vmem>>, %arg6: memref<8x256xf32, #tpu.memory_space<vmem>>, %arg7: memref<!tpu.dma_semaphore, #tpu.memory_space<semaphore_mem>>) attributes {dimension_semantics = [#tpu.dimension_semantics<core_parallel>, #tpu.dimension_semantics<subcore_parallel>], iteration_bounds = array<i64: 2, 16>, scalar_prefetch = 0 : i64, scratch_operands = 3 : i64, tpu.core_type = #tpu.core_type<sc_vector_subcore>, window_params = [{transform_indices = #map}, {transform_indices = #map1}, {transform_indices = #map}]} {
    %mul3A = arith.constant 16 : i32
    %mul3A_0 = arith.muli %arg0, %mul3A : i32
    %add3A = arith.addi %mul3A_0, %arg1 : i32
    %lt3A = arith.constant 25 : i32
    %lt3A_1 = arith.cmpi slt, %add3A, %lt3A : i32
    %convert_element_type3A = arith.extui %lt3A_1 : i1 to i32
    %cond3A = arith.constant 0 : i32
    %cond3A_2 = arith.cmpi ne, %convert_element_type3A, %cond3A : i32
    scf.if %cond3A_2 {
      %mul3A_3 = arith.constant 8 : i32
      %mul3A_4 = arith.muli %add3A, %mul3A_3 : i32
      "tpu.region"() ({
        %run_scoped3A = tpu.sem_alloc : memref<!tpu.dma_semaphore, #tpu.memory_space<semaphore_mem>>
        %dma_start3A_9 = tpu.memref_slice %arg3[%mul3A_4] : memref<200xi32, #tpu.memory_space<hbm>> -> memref<8xi32, #tpu.memory_space<hbm>>
        %dma_start3A_10 = tpu.memref_slice %arg3[%mul3A_4] : memref<200xi32, #tpu.memory_space<hbm>> -> memref<8xi32, #tpu.memory_space<hbm>>
        tpu.enqueue_dma source(%dma_start3A_10 : memref<8xi32, #tpu.memory_space<hbm>>) target(%arg5 : memref<8xi32, #tpu.memory_space<vmem>>) target_semaphore(%run_scoped3A : memref<!tpu.dma_semaphore, #tpu.memory_space<semaphore_mem>>)
        %dma_wait3A_11 = tpu.memref_slice %arg3[%mul3A_4] : memref<200xi32, #tpu.memory_space<hbm>> -> memref<8xi32, #tpu.memory_space<hbm>>
        %dma_wait3A_12 = tpu.memref_slice %arg3[%mul3A_4] : memref<200xi32, #tpu.memory_space<hbm>> -> memref<8xi32, #tpu.memory_space<hbm>>
        tpu.wait_dma2 semaphore(%run_scoped3A : memref<!tpu.dma_semaphore, #tpu.memory_space<semaphore_mem>>) src(%dma_wait3A_12 : memref<8xi32, #tpu.memory_space<hbm>>) dst(%arg5 : memref<8xi32, #tpu.memory_space<vmem>>)
        tpu.yield
      }) : () -> ()
      %dma_start3A = arith.constant 0 : i32
      %dma_start3A_5 = arith.constant 0 : i32
      %dma_start3A_6 = tpu.memref_slice %arg2[%dma_start3A, %dma_start3A_5] : memref<72576x256xf32, #tpu.memory_space<hbm>> -> memref<72576x256xf32, #tpu.memory_space<hbm>>
      tpu.enqueue_indirect_dma source(%dma_start3A_6 : memref<72576x256xf32, #tpu.memory_space<hbm>>) target(%arg6 : memref<8x256xf32, #tpu.memory_space<vmem>>) offsets(%arg5 : memref<8xi32, #tpu.memory_space<vmem>>) semaphore(%arg7 : memref<!tpu.dma_semaphore, #tpu.memory_space<semaphore_mem>>)
      %dma_wait3A = arith.constant 0 : i32
      %dma_wait3A_7 = arith.constant 0 : i32
      %dma_wait3A_8 = tpu.memref_slice %arg2[%dma_wait3A, %dma_wait3A_7] : memref<72576x256xf32, #tpu.memory_space<hbm>> -> memref<72576x256xf32, #tpu.memory_space<hbm>>
      tpu.wait_indirect_dma semaphore(%arg7 : memref<!tpu.dma_semaphore, #tpu.memory_space<semaphore_mem>>) src(%dma_wait3A_8 : memref<72576x256xf32, #tpu.memory_space<hbm>>) dst(%arg6 : memref<8x256xf32, #tpu.memory_space<vmem>>)
      "tpu.region"() ({
        %run_scoped3A = tpu.sem_alloc : memref<!tpu.dma_semaphore, #tpu.memory_space<semaphore_mem>>
        %dma_start3A_9 = arith.constant 0 : i32
        %dma_start3A_10 = tpu.memref_slice %arg4[%mul3A_4, %dma_start3A_9] : memref<200x256xf32, #tpu.memory_space<hbm>> -> memref<8x256xf32, #tpu.memory_space<hbm>>
        %dma_start3A_11 = arith.constant 0 : i32
        %dma_start3A_12 = tpu.memref_slice %arg4[%mul3A_4, %dma_start3A_11] : memref<200x256xf32, #tpu.memory_space<hbm>> -> memref<8x256xf32, #tpu.memory_space<hbm>>
        tpu.enqueue_dma source(%arg6 : memref<8x256xf32, #tpu.memory_space<vmem>>) target(%dma_start3A_12 : memref<8x256xf32, #tpu.memory_space<hbm>>) target_semaphore(%run_scoped3A : memref<!tpu.dma_semaphore, #tpu.memory_space<semaphore_mem>>)
        %dma_wait3A_13 = arith.constant 0 : i32
        %dma_wait3A_14 = tpu.memref_slice %arg4[%mul3A_4, %dma_wait3A_13] : memref<200x256xf32, #tpu.memory_space<hbm>> -> memref<8x256xf32, #tpu.memory_space<hbm>>
        %dma_wait3A_15 = arith.constant 0 : i32
        %dma_wait3A_16 = tpu.memref_slice %arg4[%mul3A_4, %dma_wait3A_15] : memref<200x256xf32, #tpu.memory_space<hbm>> -> memref<8x256xf32, #tpu.memory_space<hbm>>
        tpu.wait_dma2 semaphore(%run_scoped3A : memref<!tpu.dma_semaphore, #tpu.memory_space<semaphore_mem>>) src(%arg6 : memref<8x256xf32, #tpu.memory_space<vmem>>) dst(%dma_wait3A_16 : memref<8x256xf32, #tpu.memory_space<hbm>>)
        tpu.yield
      }) : () -> ()
    } else {
    }
    return
  }
}

module attributes {stable_mosaic.version = 14 : i64} {
  func.func @_enc_body(%arg0: i32, %arg1: i32, %arg2: memref<1x256x1536xf32, #tpu.memory_space<vmem>>, %arg3: memref<1536x1xf32, #tpu.memory_space<vmem>>, %arg4: memref<1x1x14xf32, #tpu.memory_space<vmem>>, %arg5: memref<256x256xf32, #tpu.memory_space<vmem>>, %arg6: memref<1x256xf32, #tpu.memory_space<vmem>>, %arg7: memref<256x256xf32, #tpu.memory_space<vmem>>, %arg8: memref<1x256xf32, #tpu.memory_space<vmem>>, %arg9: memref<1x256xf32, #tpu.memory_space<vmem>>, %arg10: memref<1x256xf32, #tpu.memory_space<vmem>>, %arg11: memref<256x10xf32, #tpu.memory_space<vmem>>, %arg12: memref<1x10xf32, #tpu.memory_space<vmem>>, %arg13: memref<14x256xf32, #tpu.memory_space<vmem>>, %arg14: memref<1x256xf32, #tpu.memory_space<vmem>>, %arg15: memref<14x256xf32, #tpu.memory_space<vmem>>, %arg16: memref<1x256xf32, #tpu.memory_space<vmem>>, %arg17: memref<1x256xf32, #tpu.memory_space<vmem>>, %arg18: memref<1x256xf32, #tpu.memory_space<vmem>>, %arg19: memref<1x1536x256xf32, #tpu.memory_space<vmem>>, %arg20: memref<1x1x1536xi32, #tpu.memory_space<vmem>>, %arg21: memref<1x1536x256xf32, #tpu.memory_space<vmem>>) attributes {dimension_semantics = [#tpu.dimension_semantics<arbitrary>, #tpu.dimension_semantics<arbitrary>], iteration_bounds = array<i64: 6, 6>, scalar_prefetch = 0 : i64, scratch_operands = 0 : i64, tpu.core_type = #tpu.core_type<tc>, window_params = [{transform_indices = @transform_0, window_bounds = array<i64: 1, 256, 1536>}, {transform_indices = @transform_1, window_bounds = array<i64: 1536, 1>}, {transform_indices = @transform_2, window_bounds = array<i64: 1, 1, 14>}, {pipeline_mode = #tpu.pipeline_mode<synchronous>, transform_indices = @transform_3, window_bounds = array<i64: 256, 256>}, {pipeline_mode = #tpu.pipeline_mode<synchronous>, transform_indices = @transform_4, window_bounds = array<i64: 1, 256>}, {pipeline_mode = #tpu.pipeline_mode<synchronous>, transform_indices = @transform_5, window_bounds = array<i64: 256, 256>}, {pipeline_mode = #tpu.pipeline_mode<synchronous>, transform_indices = @transform_6, window_bounds = array<i64: 1, 256>}, {pipeline_mode = #tpu.pipeline_mode<synchronous>, transform_indices = @transform_7, window_bounds = array<i64: 1, 256>}, {pipeline_mode = #tpu.pipeline_mode<synchronous>, transform_indices = @transform_8, window_bounds = array<i64: 1, 256>}, {pipeline_mode = #tpu.pipeline_mode<synchronous>, transform_indices = @transform_9, window_bounds = array<i64: 256, 10>}, {pipeline_mode = #tpu.pipeline_mode<synchronous>, transform_indices = @transform_10, window_bounds = array<i64: 1, 10>}, {pipeline_mode = #tpu.pipeline_mode<synchronous>, transform_indices = @transform_11, window_bounds = array<i64: 14, 256>}, {pipeline_mode = #tpu.pipeline_mode<synchronous>, transform_indices = @transform_12, window_bounds = array<i64: 1, 256>}, {pipeline_mode = #tpu.pipeline_mode<synchronous>, transform_indices = @transform_13, window_bounds = array<i64: 14, 256>}, {pipeline_mode = #tpu.pipeline_mode<synchronous>, transform_indices = @transform_14, window_bounds = array<i64: 1, 256>}, {pipeline_mode = #tpu.pipeline_mode<synchronous>, transform_indices = @transform_15, window_bounds = array<i64: 1, 256>}, {pipeline_mode = #tpu.pipeline_mode<synchronous>, transform_indices = @transform_16, window_bounds = array<i64: 1, 256>}, {transform_indices = @transform_17, window_bounds = array<i64: 1, 1536, 256>}, {transform_indices = @transform_18, window_bounds = array<i64: 1, 1, 1536>}, {transform_indices = @transform_19, window_bounds = array<i64: 1, 1536, 256>}]} {
    %get3A = arith.constant 0 : index
    %get3A_0 = arith.constant 0 : index
    %get3A_1 = arith.constant 0 : index
    %get3A_2 = vector.load %arg2[%get3A, %get3A_0, %get3A_1] : memref<1x256x1536xf32, #tpu.memory_space<vmem>>, vector<1x256x1536xf32>
    %get3A_3 = vector.shape_cast %get3A_2 : vector<1x256x1536xf32> to vector<256x1536xf32>
    %transpose3A = tpu.transpose %get3A_3, [1, 0] : vector<256x1536xf32> -> vector<1536x256xf32>
    %get3A_4 = arith.constant 0 : index
    %get3A_5 = arith.constant 0 : index
    %get3A_6 = vector.load %arg5[%get3A_4, %get3A_5] : memref<256x256xf32, #tpu.memory_space<vmem>>, vector<256x256xf32>
    %dot_general3A = arith.constant dense<0.000000e+00> : vector<1536x256xf32>
    %dot_general3A_7 = tpu.matmul %transpose3A, %get3A_6, %dot_general3A {dimension_numbers = #tpu.dot_dimension_numbers<[1], [0], [0], [1], [0, 0, 1, 1], [], []>, transpose_lhs_hint = false} : vector<1536x256xf32>, vector<256x256xf32>, vector<1536x256xf32> -> vector<1536x256xf32>
    %get3A_8 = arith.constant 0 : index
    %get3A_9 = arith.constant 0 : index
    %get3A_10 = vector.load %arg6[%get3A_8, %get3A_9] : memref<1x256xf32, #tpu.memory_space<vmem>>, vector<1x256xf32>
    %add3A = vector.broadcast %get3A_10 : vector<1x256xf32> to vector<1536x256xf32>
    %add3A_11 = arith.addf %dot_general3A_7, %add3A : vector<1536x256xf32>
    %get3A_12 = arith.constant 0 : index
    %get3A_13 = arith.constant 0 : index
    %get3A_14 = vector.load %arg7[%get3A_12, %get3A_13] : memref<256x256xf32, #tpu.memory_space<vmem>>, vector<256x256xf32>
    %dot_general3A_15 = arith.constant dense<0.000000e+00> : vector<1536x256xf32>
    %dot_general3A_16 = tpu.matmul %add3A_11, %get3A_14, %dot_general3A_15 {dimension_numbers = #tpu.dot_dimension_numbers<[1], [0], [0], [1], [0, 0, 1, 1], [], []>, transpose_lhs_hint = false} : vector<1536x256xf32>, vector<256x256xf32>, vector<1536x256xf32> -> vector<1536x256xf32>
    %get3A_17 = arith.constant 0 : index
    %get3A_18 = arith.constant 0 : index
    %get3A_19 = vector.load %arg8[%get3A_17, %get3A_18] : memref<1x256xf32, #tpu.memory_space<vmem>>, vector<1x256xf32>
    %add3A_20 = vector.broadcast %get3A_19 : vector<1x256xf32> to vector<1536x256xf32>
    %add3A_21 = arith.addf %dot_general3A_16, %add3A_20 : vector<1536x256xf32>
    %reduce_sum3A = arith.constant dense<0.000000e+00> : vector<1536xf32>
    %reduce_sum3A_22 = vector.multi_reduction <add>, %add3A_21, %reduce_sum3A [1] : vector<1536x256xf32> to vector<1536xf32>
    %broadcast_in_dim3A = vector.shape_cast %reduce_sum3A_22 : vector<1536xf32> to vector<1536x1xf32>
    %div3A = arith.constant 2.560000e+02 : f32
    %div3A_23 = vector.broadcast %div3A : f32 to vector<1536x1xf32>
    %div3A_24 = arith.divf %broadcast_in_dim3A, %div3A_23 : vector<1536x1xf32>
    %sub3A = vector.broadcast %div3A_24 : vector<1536x1xf32> to vector<1536x256xf32>
    %sub3A_25 = arith.subf %add3A_21, %sub3A : vector<1536x256xf32>
    %mul3A = arith.mulf %sub3A_25, %sub3A_25 : vector<1536x256xf32>
    %reduce_sum3A_26 = arith.constant dense<0.000000e+00> : vector<1536xf32>
    %reduce_sum3A_27 = vector.multi_reduction <add>, %mul3A, %reduce_sum3A_26 [1] : vector<1536x256xf32> to vector<1536xf32>
    %broadcast_in_dim3A_28 = vector.shape_cast %reduce_sum3A_27 : vector<1536xf32> to vector<1536x1xf32>
    %div3A_29 = arith.constant 2.560000e+02 : f32
    %div3A_30 = vector.broadcast %div3A_29 : f32 to vector<1536x1xf32>
    %div3A_31 = arith.divf %broadcast_in_dim3A_28, %div3A_30 : vector<1536x1xf32>
    %add3A_32 = arith.constant 9.99999974E-6 : f32
    %add3A_33 = vector.broadcast %add3A_32 : f32 to vector<1536x1xf32>
    %add3A_34 = arith.addf %div3A_31, %add3A_33 : vector<1536x1xf32>
    %rsqrt3A = math.rsqrt %add3A_34 : vector<1536x1xf32>
    %mul3A_35 = vector.broadcast %rsqrt3A : vector<1536x1xf32> to vector<1536x256xf32>
    %mul3A_36 = arith.mulf %sub3A_25, %mul3A_35 : vector<1536x256xf32>
    %get3A_37 = arith.constant 0 : index
    %get3A_38 = arith.constant 0 : index
    %get3A_39 = vector.load %arg9[%get3A_37, %get3A_38] : memref<1x256xf32, #tpu.memory_space<vmem>>, vector<1x256xf32>
    %mul3A_40 = vector.broadcast %get3A_39 : vector<1x256xf32> to vector<1536x256xf32>
    %mul3A_41 = arith.mulf %mul3A_36, %mul3A_40 : vector<1536x256xf32>
    %get3A_42 = arith.constant 0 : index
    %get3A_43 = arith.constant 0 : index
    %get3A_44 = vector.load %arg10[%get3A_42, %get3A_43] : memref<1x256xf32, #tpu.memory_space<vmem>>, vector<1x256xf32>
    %add3A_45 = vector.broadcast %get3A_44 : vector<1x256xf32> to vector<1536x256xf32>
    %add3A_46 = arith.addf %mul3A_41, %add3A_45 : vector<1536x256xf32>
    %swap3A = arith.constant 0 : index
    %swap3A_47 = arith.constant 0 : index
    %swap3A_48 = arith.constant 0 : index
    %swap3A_49 = vector.load %arg19[%swap3A, %swap3A_47, %swap3A_48] : memref<1x1536x256xf32, #tpu.memory_space<vmem>>, vector<1x1536x256xf32>
    %swap3A_50 = vector.shape_cast %swap3A_49 : vector<1x1536x256xf32> to vector<1536x256xf32>
    %swap3A_51 = vector.shape_cast %add3A_46 : vector<1536x256xf32> to vector<1x1536x256xf32>
    tpu.vector_store %arg19[%swap3A, %swap3A_47, %swap3A_48], %swap3A_51 {strides = array<i32>} : memref<1x1536x256xf32, #tpu.memory_space<vmem>>, vector<1x1536x256xf32>,
    %get3A_52 = arith.constant 0 : index
    %get3A_53 = arith.constant 0 : index
    %get3A_54 = vector.load %arg11[%get3A_52, %get3A_53] : memref<256x10xf32, #tpu.memory_space<vmem>>, vector<256x10xf32>
    %dot_general3A_55 = arith.constant dense<0.000000e+00> : vector<1536x10xf32>
    %dot_general3A_56 = tpu.matmul %add3A_46, %get3A_54, %dot_general3A_55 {dimension_numbers = #tpu.dot_dimension_numbers<[1], [0], [0], [1], [0, 0, 1, 1], [], []>, transpose_lhs_hint = false} : vector<1536x256xf32>, vector<256x10xf32>, vector<1536x10xf32> -> vector<1536x10xf32>
    %get3A_57 = arith.constant 0 : index
    %get3A_58 = arith.constant 0 : index
    %get3A_59 = vector.load %arg12[%get3A_57, %get3A_58] : memref<1x10xf32, #tpu.memory_space<vmem>>, vector<1x10xf32>
    %add3A_60 = vector.broadcast %get3A_59 : vector<1x10xf32> to vector<1536x10xf32>
    %add3A_61 = arith.addf %dot_general3A_56, %add3A_60 : vector<1536x10xf32>
    %reduce_max3A = arith.constant dense<0xFF800000> : vector<1536xf32>
    %reduce_max3A_62 = vector.multi_reduction <maximumf>, %add3A_61, %reduce_max3A [1] : vector<1536x10xf32> to vector<1536xf32>
    %get3A_63 = arith.constant 0 : index
    %get3A_64 = arith.constant 0 : index
    %get3A_65 = vector.load %arg3[%get3A_63, %get3A_64] : memref<1536x1xf32, #tpu.memory_space<vmem>>, vector<1536x1xf32>
    %squeeze3A = vector.shape_cast %get3A_65 : vector<1536x1xf32> to vector<1536xf32>
    %gt3A = arith.constant 5.000000e-01 : f32
    %gt3A_66 = vector.broadcast %gt3A : f32 to vector<1536xf32>
    %gt3A_67 = arith.cmpf ogt, %squeeze3A, %gt3A_66 : vector<1536xf32>
    %jit3A = arith.constant -1.000000e+08 : f32
    %broadcast_in_dim3A_68 = vector.broadcast %jit3A : f32 to vector<1536xf32>
    %select_n3A = arith.select %gt3A_67, %reduce_max3A_62, %broadcast_in_dim3A_68 : vector<1536xi1>, vector<1536xf32>
    %bitcast_convert_type3A = tpu.bitcast %select_n3A : vector<1536xf32> -> vector<1536xi32>
    %lt3A = arith.constant 0 : i32
    %lt3A_69 = vector.broadcast %lt3A : i32 to vector<1536xi32>
    %lt3A_70 = arith.cmpi slt, %bitcast_convert_type3A, %lt3A_69 : vector<1536xi32>
    %xor3A = arith.constant 2147483647 : i32
    %xor3A_71 = vector.broadcast %xor3A : i32 to vector<1536xi32>
    %xor3A_72 = arith.xori %bitcast_convert_type3A, %xor3A_71 : vector<1536xi32>
    %select_n3A_73 = arith.select %lt3A_70, %xor3A_72, %bitcast_convert_type3A : vector<1536xi1>, vector<1536xi32>
    %swap3A_74 = arith.constant 0 : index
    %swap3A_75 = arith.constant 0 : index
    %swap3A_76 = arith.constant 0 : index
    %swap3A_77 = vector.load %arg20[%swap3A_74, %swap3A_75, %swap3A_76] : memref<1x1x1536xi32, #tpu.memory_space<vmem>>, vector<1x1x1536xi32>
    %swap3A_78 = vector.shape_cast %swap3A_77 : vector<1x1x1536xi32> to vector<1536xi32>
    %swap3A_79 = vector.shape_cast %select_n3A_73 : vector<1536xi32> to vector<1x1x1536xi32>
    tpu.vector_store %arg20[%swap3A_74, %swap3A_75, %swap3A_76], %swap3A_79 {strides = array<i32>} : memref<1x1x1536xi32, #tpu.memory_space<vmem>>, vector<1x1x1536xi32>,
    %reduce_sum3A_80 = arith.constant dense<0.000000e+00> : vector<1536xf32>
    %reduce_sum3A_81 = vector.multi_reduction <add>, %transpose3A, %reduce_sum3A_80 [1] : vector<1536x256xf32> to vector<1536xf32>
    %broadcast_in_dim3A_82 = vector.shape_cast %reduce_sum3A_81 : vector<1536xf32> to vector<1536x1xf32>
    %div3A_83 = arith.constant 2.560000e+02 : f32
    %div3A_84 = vector.broadcast %div3A_83 : f32 to vector<1536x1xf32>
    %div3A_85 = arith.divf %broadcast_in_dim3A_82, %div3A_84 : vector<1536x1xf32>
    %sub3A_86 = vector.broadcast %div3A_85 : vector<1536x1xf32> to vector<1536x256xf32>
    %sub3A_87 = arith.subf %transpose3A, %sub3A_86 : vector<1536x256xf32>
    %mul3A_88 = arith.mulf %sub3A_87, %sub3A_87 : vector<1536x256xf32>
    %reduce_sum3A_89 = arith.constant dense<0.000000e+00> : vector<1536xf32>
    %reduce_sum3A_90 = vector.multi_reduction <add>, %mul3A_88, %reduce_sum3A_89 [1] : vector<1536x256xf32> to vector<1536xf32>
    %broadcast_in_dim3A_91 = vector.shape_cast %reduce_sum3A_90 : vector<1536xf32> to vector<1536x1xf32>
    %div3A_92 = arith.constant 2.560000e+02 : f32
    %div3A_93 = vector.broadcast %div3A_92 : f32 to vector<1536x1xf32>
    %div3A_94 = arith.divf %broadcast_in_dim3A_91, %div3A_93 : vector<1536x1xf32>
    %add3A_95 = arith.constant 9.99999974E-6 : f32
    %add3A_96 = vector.broadcast %add3A_95 : f32 to vector<1536x1xf32>
    %add3A_97 = arith.addf %div3A_94, %add3A_96 : vector<1536x1xf32>
    %rsqrt3A_98 = math.rsqrt %add3A_97 : vector<1536x1xf32>
    %mul3A_99 = vector.broadcast %rsqrt3A_98 : vector<1536x1xf32> to vector<1536x256xf32>
    %mul3A_100 = arith.mulf %sub3A_87, %mul3A_99 : vector<1536x256xf32>
    %get3A_101 = arith.constant 0 : index
    %get3A_102 = arith.constant 0 : index
    %get3A_103 = vector.load %arg17[%get3A_101, %get3A_102] : memref<1x256xf32, #tpu.memory_space<vmem>>, vector<1x256xf32>
    %mul3A_104 = vector.broadcast %get3A_103 : vector<1x256xf32> to vector<1536x256xf32>
    %mul3A_105 = arith.mulf %mul3A_100, %mul3A_104 : vector<1536x256xf32>
    %get3A_106 = arith.constant 0 : index
    %get3A_107 = arith.constant 0 : index
    %get3A_108 = vector.load %arg18[%get3A_106, %get3A_107] : memref<1x256xf32, #tpu.memory_space<vmem>>, vector<1x256xf32>
    %add3A_109 = vector.broadcast %get3A_108 : vector<1x256xf32> to vector<1536x256xf32>
    %add3A_110 = arith.addf %mul3A_105, %add3A_109 : vector<1536x256xf32>
    %get3A_111 = arith.constant 0 : index
    %get3A_112 = arith.constant 0 : index
    %get3A_113 = arith.constant 0 : index
    %get3A_114 = vector.load %arg4[%get3A_111, %get3A_112, %get3A_113] : memref<1x1x14xf32, #tpu.memory_space<vmem>>, vector<1x1x14xf32>
    %get3A_115 = vector.shape_cast %get3A_114 : vector<1x1x14xf32> to vector<1x14xf32>
    %get3A_116 = arith.constant 0 : index
    %get3A_117 = arith.constant 0 : index
    %get3A_118 = vector.load %arg13[%get3A_116, %get3A_117] : memref<14x256xf32, #tpu.memory_space<vmem>>, vector<14x256xf32>
    %dot_general3A_119 = arith.constant dense<0.000000e+00> : vector<1x256xf32>
    %dot_general3A_120 = tpu.matmul %get3A_115, %get3A_118, %dot_general3A_119 {dimension_numbers = #tpu.dot_dimension_numbers<[1], [0], [0], [1], [0, 0, 1, 1], [], []>, transpose_lhs_hint = false} : vector<1x14xf32>, vector<14x256xf32>, vector<1x256xf32> -> vector<1x256xf32>
    %get3A_121 = arith.constant 0 : index
    %get3A_122 = arith.constant 0 : index
    %get3A_123 = vector.load %arg14[%get3A_121, %get3A_122] : memref<1x256xf32, #tpu.memory_space<vmem>>, vector<1x256xf32>
    %add3A_124 = arith.addf %dot_general3A_120, %get3A_123 : vector<1x256xf32>
    %get3A_125 = arith.constant 0 : index
    %get3A_126 = arith.constant 0 : index
    %get3A_127 = vector.load %arg15[%get3A_125, %get3A_126] : memref<14x256xf32, #tpu.memory_space<vmem>>, vector<14x256xf32>
    %dot_general3A_128 = arith.constant dense<0.000000e+00> : vector<1x256xf32>
    %dot_general3A_129 = tpu.matmul %get3A_115, %get3A_127, %dot_general3A_128 {dimension_numbers = #tpu.dot_dimension_numbers<[1], [0], [0], [1], [0, 0, 1, 1], [], []>, transpose_lhs_hint = false} : vector<1x14xf32>, vector<14x256xf32>, vector<1x256xf32> -> vector<1x256xf32>
    %get3A_130 = arith.constant 0 : index
    %get3A_131 = arith.constant 0 : index
    %get3A_132 = vector.load %arg16[%get3A_130, %get3A_131] : memref<1x256xf32, #tpu.memory_space<vmem>>, vector<1x256xf32>
    %add3A_133 = arith.addf %dot_general3A_129, %get3A_132 : vector<1x256xf32>
    %add3A_134 = arith.constant 1.000000e+00 : f32
    %add3A_135 = vector.broadcast %add3A_134 : f32 to vector<1x256xf32>
    %add3A_136 = arith.addf %add3A_135, %add3A_124 : vector<1x256xf32>
    %mul3A_137 = vector.broadcast %add3A_136 : vector<1x256xf32> to vector<1536x256xf32>
    %mul3A_138 = arith.mulf %add3A_110, %mul3A_137 : vector<1536x256xf32>
    %add3A_139 = vector.broadcast %add3A_133 : vector<1x256xf32> to vector<1536x256xf32>
    %add3A_140 = arith.addf %mul3A_138, %add3A_139 : vector<1536x256xf32>
    %swap3A_141 = arith.constant 0 : index
    %swap3A_142 = arith.constant 0 : index
    %swap3A_143 = arith.constant 0 : index
    %swap3A_144 = vector.load %arg21[%swap3A_141, %swap3A_142, %swap3A_143] : memref<1x1536x256xf32, #tpu.memory_space<vmem>>, vector<1x1536x256xf32>
    %swap3A_145 = vector.shape_cast %swap3A_144 : vector<1x1536x256xf32> to vector<1536x256xf32>
    %swap3A_146 = vector.shape_cast %add3A_140 : vector<1536x256xf32> to vector<1x1536x256xf32>
    tpu.vector_store %arg21[%swap3A_141, %swap3A_142, %swap3A_143], %swap3A_146 {strides = array<i32>} : memref<1x1536x256xf32, #tpu.memory_space<vmem>>, vector<1x1536x256xf32>,
    return
  }
  func.func @transform_0(%arg0: i32, %arg1: i32) -> (i32, i32, i32) {
    %c0_i32 = arith.constant 0 : i32
    %c0_i32_0 = arith.constant 0 : i32
    return %arg0, %c0_i32, %arg1 : i32, i32, i32
  }
  func.func @transform_1(%arg0: i32, %arg1: i32) -> (i32, i32) {
    %c0_i32 = arith.constant 0 : i32
    %c0_i32_0 = arith.constant 0 : i32
    return %arg1, %c0_i32 : i32, i32
  }
  func.func @transform_2(%arg0: i32, %arg1: i32) -> (i32, i32, i32) {
    %c0_i32 = arith.constant 0 : i32
    %c0_i32_0 = arith.constant 0 : i32
    %c0_i32_1 = arith.constant 0 : i32
    return %arg0, %c0_i32, %c0_i32_0 : i32, i32, i32
  }
  func.func @transform_3(%arg0: i32, %arg1: i32) -> (i32, i32) {
    %c0_i32 = arith.constant 0 : i32
    %c0_i32_0 = arith.constant 0 : i32
    %c0_i32_1 = arith.constant 0 : i32
    return %c0_i32, %c0_i32_0 : i32, i32
  }
  func.func @transform_4(%arg0: i32, %arg1: i32) -> (i32, i32) {
    %c0_i32 = arith.constant 0 : i32
    %c0_i32_0 = arith.constant 0 : i32
    %c0_i32_1 = arith.constant 0 : i32
    return %c0_i32, %c0_i32_0 : i32, i32
  }
  func.func @transform_5(%arg0: i32, %arg1: i32) -> (i32, i32) {
    %c0_i32 = arith.constant 0 : i32
    %c0_i32_0 = arith.constant 0 : i32
    %c0_i32_1 = arith.constant 0 : i32
    return %c0_i32, %c0_i32_0 : i32, i32
  }
  func.func @transform_6(%arg0: i32, %arg1: i32) -> (i32, i32) {
    %c0_i32 = arith.constant 0 : i32
    %c0_i32_0 = arith.constant 0 : i32
    %c0_i32_1 = arith.constant 0 : i32
    return %c0_i32, %c0_i32_0 : i32, i32
  }
  func.func @transform_7(%arg0: i32, %arg1: i32) -> (i32, i32) {
    %c0_i32 = arith.constant 0 : i32
    %c0_i32_0 = arith.constant 0 : i32
    %c0_i32_1 = arith.constant 0 : i32
    return %c0_i32, %c0_i32_0 : i32, i32
  }
  func.func @transform_8(%arg0: i32, %arg1: i32) -> (i32, i32) {
    %c0_i32 = arith.constant 0 : i32
    %c0_i32_0 = arith.constant 0 : i32
    %c0_i32_1 = arith.constant 0 : i32
    return %c0_i32, %c0_i32_0 : i32, i32
  }
  func.func @transform_9(%arg0: i32, %arg1: i32) -> (i32, i32) {
    %c0_i32 = arith.constant 0 : i32
    %c0_i32_0 = arith.constant 0 : i32
    %c0_i32_1 = arith.constant 0 : i32
    return %c0_i32, %c0_i32_0 : i32, i32
  }
  func.func @transform_10(%arg0: i32, %arg1: i32) -> (i32, i32) {
    %c0_i32 = arith.constant 0 : i32
    %c0_i32_0 = arith.constant 0 : i32
    %c0_i32_1 = arith.constant 0 : i32
    return %c0_i32, %c0_i32_0 : i32, i32
  }
  func.func @transform_11(%arg0: i32, %arg1: i32) -> (i32, i32) {
    %c0_i32 = arith.constant 0 : i32
    %c0_i32_0 = arith.constant 0 : i32
    %c0_i32_1 = arith.constant 0 : i32
    return %c0_i32, %c0_i32_0 : i32, i32
  }
  func.func @transform_12(%arg0: i32, %arg1: i32) -> (i32, i32) {
    %c0_i32 = arith.constant 0 : i32
    %c0_i32_0 = arith.constant 0 : i32
    %c0_i32_1 = arith.constant 0 : i32
    return %c0_i32, %c0_i32_0 : i32, i32
  }
  func.func @transform_13(%arg0: i32, %arg1: i32) -> (i32, i32) {
    %c0_i32 = arith.constant 0 : i32
    %c0_i32_0 = arith.constant 0 : i32
    %c0_i32_1 = arith.constant 0 : i32
    return %c0_i32, %c0_i32_0 : i32, i32
  }
  func.func @transform_14(%arg0: i32, %arg1: i32) -> (i32, i32) {
    %c0_i32 = arith.constant 0 : i32
    %c0_i32_0 = arith.constant 0 : i32
    %c0_i32_1 = arith.constant 0 : i32
    return %c0_i32, %c0_i32_0 : i32, i32
  }
  func.func @transform_15(%arg0: i32, %arg1: i32) -> (i32, i32) {
    %c0_i32 = arith.constant 0 : i32
    %c0_i32_0 = arith.constant 0 : i32
    %c0_i32_1 = arith.constant 0 : i32
    return %c0_i32, %c0_i32_0 : i32, i32
  }
  func.func @transform_16(%arg0: i32, %arg1: i32) -> (i32, i32) {
    %c0_i32 = arith.constant 0 : i32
    %c0_i32_0 = arith.constant 0 : i32
    %c0_i32_1 = arith.constant 0 : i32
    return %c0_i32, %c0_i32_0 : i32, i32
  }
  func.func @transform_17(%arg0: i32, %arg1: i32) -> (i32, i32, i32) {
    %add3A = arith.constant 0 : i32
    %add3A_0 = arith.addi %add3A, %arg1 : i32
    %c0_i32 = arith.constant 0 : i32
    %c0_i32_1 = arith.constant 0 : i32
    return %arg0, %add3A_0, %c0_i32 : i32, i32, i32
  }
  func.func @transform_18(%arg0: i32, %arg1: i32) -> (i32, i32, i32) {
    %add3A = arith.constant 0 : i32
    %add3A_0 = arith.addi %add3A, %arg1 : i32
    %c0_i32 = arith.constant 0 : i32
    %c0_i32_1 = arith.constant 0 : i32
    return %arg0, %c0_i32, %add3A_0 : i32, i32, i32
  }
  func.func @transform_19(%arg0: i32, %arg1: i32) -> (i32, i32, i32) {
    %add3A = arith.constant 0 : i32
    %add3A_0 = arith.addi %add3A, %arg1 : i32
    %c0_i32 = arith.constant 0 : i32
    %c0_i32_1 = arith.constant 0 : i32
    return %arg0, %add3A_0, %c0_i32 : i32, i32, i32
  }
}

module attributes {stable_mosaic.version = 14 : i64} {
  func.func @_enc_body(%arg0: i32, %arg1: i32, %arg2: memref<1x256x768xf32, #tpu.memory_space<vmem>>, %arg3: memref<768x1xf32, #tpu.memory_space<vmem>>, %arg4: memref<1x1x14xf32, #tpu.memory_space<vmem>>, %arg5: memref<256x256xf32, #tpu.memory_space<vmem>>, %arg6: memref<1x256xf32, #tpu.memory_space<vmem>>, %arg7: memref<256x256xf32, #tpu.memory_space<vmem>>, %arg8: memref<1x256xf32, #tpu.memory_space<vmem>>, %arg9: memref<1x256xf32, #tpu.memory_space<vmem>>, %arg10: memref<1x256xf32, #tpu.memory_space<vmem>>, %arg11: memref<256x10xf32, #tpu.memory_space<vmem>>, %arg12: memref<1x10xf32, #tpu.memory_space<vmem>>, %arg13: memref<14x256xf32, #tpu.memory_space<vmem>>, %arg14: memref<1x256xf32, #tpu.memory_space<vmem>>, %arg15: memref<14x256xf32, #tpu.memory_space<vmem>>, %arg16: memref<1x256xf32, #tpu.memory_space<vmem>>, %arg17: memref<1x256xf32, #tpu.memory_space<vmem>>, %arg18: memref<1x256xf32, #tpu.memory_space<vmem>>, %arg19: memref<6x12096x256xf32, #tpu.memory_space<any>>, %arg20: memref<6x1x12288xi32, #tpu.memory_space<any>>, %arg21: memref<6x11520x256xf32, #tpu.memory_space<any>>, %arg22: memref<1x768x256xf32, #tpu.memory_space<vmem>>, %arg23: memref<1x1x768xi32, #tpu.memory_space<vmem>>, %arg24: memref<1x768x256xf32, #tpu.memory_space<vmem>>) attributes {dimension_semantics = [#tpu.dimension_semantics<arbitrary>, #tpu.dimension_semantics<arbitrary>], iteration_bounds = array<i64: 6, 3>, scalar_prefetch = 0 : i64, scratch_operands = 0 : i64, tpu.core_type = #tpu.core_type<tc>, window_params = [{transform_indices = @transform_0, window_bounds = array<i64: 1, 256, 768>}, {transform_indices = @transform_1, window_bounds = array<i64: 768, 1>}, {transform_indices = @transform_2, window_bounds = array<i64: 1, 1, 14>}, {pipeline_mode = #tpu.pipeline_mode<synchronous>, transform_indices = @transform_3, window_bounds = array<i64: 256, 256>}, {pipeline_mode = #tpu.pipeline_mode<synchronous>, transform_indices = @transform_4, window_bounds = array<i64: 1, 256>}, {pipeline_mode = #tpu.pipeline_mode<synchronous>, transform_indices = @transform_5, window_bounds = array<i64: 256, 256>}, {pipeline_mode = #tpu.pipeline_mode<synchronous>, transform_indices = @transform_6, window_bounds = array<i64: 1, 256>}, {pipeline_mode = #tpu.pipeline_mode<synchronous>, transform_indices = @transform_7, window_bounds = array<i64: 1, 256>}, {pipeline_mode = #tpu.pipeline_mode<synchronous>, transform_indices = @transform_8, window_bounds = array<i64: 1, 256>}, {pipeline_mode = #tpu.pipeline_mode<synchronous>, transform_indices = @transform_9, window_bounds = array<i64: 256, 10>}, {pipeline_mode = #tpu.pipeline_mode<synchronous>, transform_indices = @transform_10, window_bounds = array<i64: 1, 10>}, {pipeline_mode = #tpu.pipeline_mode<synchronous>, transform_indices = @transform_11, window_bounds = array<i64: 14, 256>}, {pipeline_mode = #tpu.pipeline_mode<synchronous>, transform_indices = @transform_12, window_bounds = array<i64: 1, 256>}, {pipeline_mode = #tpu.pipeline_mode<synchronous>, transform_indices = @transform_13, window_bounds = array<i64: 14, 256>}, {pipeline_mode = #tpu.pipeline_mode<synchronous>, transform_indices = @transform_14, window_bounds = array<i64: 1, 256>}, {pipeline_mode = #tpu.pipeline_mode<synchronous>, transform_indices = @transform_15, window_bounds = array<i64: 1, 256>}, {pipeline_mode = #tpu.pipeline_mode<synchronous>, transform_indices = @transform_16, window_bounds = array<i64: 1, 256>}, {}, {}, {}, {transform_indices = @transform_20, window_bounds = array<i64: 1, 768, 256>}, {transform_indices = @transform_21, window_bounds = array<i64: 1, 1, 768>}, {transform_indices = @transform_22, window_bounds = array<i64: 1, 768, 256>}]} {
    %get3A = arith.constant 0 : index
    %get3A_0 = arith.constant 0 : index
    %get3A_1 = arith.constant 0 : index
    %get3A_2 = vector.load %arg2[%get3A, %get3A_0, %get3A_1] : memref<1x256x768xf32, #tpu.memory_space<vmem>>, vector<1x256x768xf32>
    %get3A_3 = vector.shape_cast %get3A_2 : vector<1x256x768xf32> to vector<256x768xf32>
    %transpose3A = tpu.transpose %get3A_3, [1, 0] : vector<256x768xf32> -> vector<768x256xf32>
    %get3A_4 = arith.constant 0 : index
    %get3A_5 = arith.constant 0 : index
    %get3A_6 = vector.load %arg5[%get3A_4, %get3A_5] : memref<256x256xf32, #tpu.memory_space<vmem>>, vector<256x256xf32>
    %dot_general3A = arith.constant dense<0.000000e+00> : vector<768x256xf32>
    %dot_general3A_7 = tpu.matmul %transpose3A, %get3A_6, %dot_general3A {dimension_numbers = #tpu.dot_dimension_numbers<[1], [0], [0], [1], [0, 0, 1, 1], [], []>, transpose_lhs_hint = false} : vector<768x256xf32>, vector<256x256xf32>, vector<768x256xf32> -> vector<768x256xf32>
    %get3A_8 = arith.constant 0 : index
    %get3A_9 = arith.constant 0 : index
    %get3A_10 = vector.load %arg6[%get3A_8, %get3A_9] : memref<1x256xf32, #tpu.memory_space<vmem>>, vector<1x256xf32>
    %add3A = vector.broadcast %get3A_10 : vector<1x256xf32> to vector<768x256xf32>
    %add3A_11 = arith.addf %dot_general3A_7, %add3A : vector<768x256xf32>
    %get3A_12 = arith.constant 0 : index
    %get3A_13 = arith.constant 0 : index
    %get3A_14 = vector.load %arg7[%get3A_12, %get3A_13] : memref<256x256xf32, #tpu.memory_space<vmem>>, vector<256x256xf32>
    %dot_general3A_15 = arith.constant dense<0.000000e+00> : vector<768x256xf32>
    %dot_general3A_16 = tpu.matmul %add3A_11, %get3A_14, %dot_general3A_15 {dimension_numbers = #tpu.dot_dimension_numbers<[1], [0], [0], [1], [0, 0, 1, 1], [], []>, transpose_lhs_hint = false} : vector<768x256xf32>, vector<256x256xf32>, vector<768x256xf32> -> vector<768x256xf32>
    %get3A_17 = arith.constant 0 : index
    %get3A_18 = arith.constant 0 : index
    %get3A_19 = vector.load %arg8[%get3A_17, %get3A_18] : memref<1x256xf32, #tpu.memory_space<vmem>>, vector<1x256xf32>
    %add3A_20 = vector.broadcast %get3A_19 : vector<1x256xf32> to vector<768x256xf32>
    %add3A_21 = arith.addf %dot_general3A_16, %add3A_20 : vector<768x256xf32>
    %reduce_sum3A = arith.constant dense<0.000000e+00> : vector<768xf32>
    %reduce_sum3A_22 = vector.multi_reduction <add>, %add3A_21, %reduce_sum3A [1] : vector<768x256xf32> to vector<768xf32>
    %broadcast_in_dim3A = vector.shape_cast %reduce_sum3A_22 : vector<768xf32> to vector<768x1xf32>
    %div3A = arith.constant 2.560000e+02 : f32
    %div3A_23 = vector.broadcast %div3A : f32 to vector<768x1xf32>
    %div3A_24 = arith.divf %broadcast_in_dim3A, %div3A_23 : vector<768x1xf32>
    %sub3A = vector.broadcast %div3A_24 : vector<768x1xf32> to vector<768x256xf32>
    %sub3A_25 = arith.subf %add3A_21, %sub3A : vector<768x256xf32>
    %mul3A = arith.mulf %sub3A_25, %sub3A_25 : vector<768x256xf32>
    %reduce_sum3A_26 = arith.constant dense<0.000000e+00> : vector<768xf32>
    %reduce_sum3A_27 = vector.multi_reduction <add>, %mul3A, %reduce_sum3A_26 [1] : vector<768x256xf32> to vector<768xf32>
    %broadcast_in_dim3A_28 = vector.shape_cast %reduce_sum3A_27 : vector<768xf32> to vector<768x1xf32>
    %div3A_29 = arith.constant 2.560000e+02 : f32
    %div3A_30 = vector.broadcast %div3A_29 : f32 to vector<768x1xf32>
    %div3A_31 = arith.divf %broadcast_in_dim3A_28, %div3A_30 : vector<768x1xf32>
    %add3A_32 = arith.constant 9.99999974E-6 : f32
    %add3A_33 = vector.broadcast %add3A_32 : f32 to vector<768x1xf32>
    %add3A_34 = arith.addf %div3A_31, %add3A_33 : vector<768x1xf32>
    %rsqrt3A = math.rsqrt %add3A_34 : vector<768x1xf32>
    %mul3A_35 = vector.broadcast %rsqrt3A : vector<768x1xf32> to vector<768x256xf32>
    %mul3A_36 = arith.mulf %sub3A_25, %mul3A_35 : vector<768x256xf32>
    %get3A_37 = arith.constant 0 : index
    %get3A_38 = arith.constant 0 : index
    %get3A_39 = vector.load %arg9[%get3A_37, %get3A_38] : memref<1x256xf32, #tpu.memory_space<vmem>>, vector<1x256xf32>
    %mul3A_40 = vector.broadcast %get3A_39 : vector<1x256xf32> to vector<768x256xf32>
    %mul3A_41 = arith.mulf %mul3A_36, %mul3A_40 : vector<768x256xf32>
    %get3A_42 = arith.constant 0 : index
    %get3A_43 = arith.constant 0 : index
    %get3A_44 = vector.load %arg10[%get3A_42, %get3A_43] : memref<1x256xf32, #tpu.memory_space<vmem>>, vector<1x256xf32>
    %add3A_45 = vector.broadcast %get3A_44 : vector<1x256xf32> to vector<768x256xf32>
    %add3A_46 = arith.addf %mul3A_41, %add3A_45 : vector<768x256xf32>
    %swap3A = arith.constant 0 : index
    %swap3A_47 = arith.constant 0 : index
    %swap3A_48 = arith.constant 0 : index
    %swap3A_49 = vector.load %arg22[%swap3A, %swap3A_47, %swap3A_48] : memref<1x768x256xf32, #tpu.memory_space<vmem>>, vector<1x768x256xf32>
    %swap3A_50 = vector.shape_cast %swap3A_49 : vector<1x768x256xf32> to vector<768x256xf32>
    %swap3A_51 = vector.shape_cast %add3A_46 : vector<768x256xf32> to vector<1x768x256xf32>
    tpu.vector_store %arg22[%swap3A, %swap3A_47, %swap3A_48], %swap3A_51 {strides = array<i32>} : memref<1x768x256xf32, #tpu.memory_space<vmem>>, vector<1x768x256xf32>,
    %get3A_52 = arith.constant 0 : index
    %get3A_53 = arith.constant 0 : index
    %get3A_54 = vector.load %arg11[%get3A_52, %get3A_53] : memref<256x10xf32, #tpu.memory_space<vmem>>, vector<256x10xf32>
    %dot_general3A_55 = arith.constant dense<0.000000e+00> : vector<768x10xf32>
    %dot_general3A_56 = tpu.matmul %add3A_46, %get3A_54, %dot_general3A_55 {dimension_numbers = #tpu.dot_dimension_numbers<[1], [0], [0], [1], [0, 0, 1, 1], [], []>, transpose_lhs_hint = false} : vector<768x256xf32>, vector<256x10xf32>, vector<768x10xf32> -> vector<768x10xf32>
    %get3A_57 = arith.constant 0 : index
    %get3A_58 = arith.constant 0 : index
    %get3A_59 = vector.load %arg12[%get3A_57, %get3A_58] : memref<1x10xf32, #tpu.memory_space<vmem>>, vector<1x10xf32>
    %add3A_60 = vector.broadcast %get3A_59 : vector<1x10xf32> to vector<768x10xf32>
    %add3A_61 = arith.addf %dot_general3A_56, %add3A_60 : vector<768x10xf32>
    %reduce_max3A = arith.constant dense<0xFF800000> : vector<768xf32>
    %reduce_max3A_62 = vector.multi_reduction <maximumf>, %add3A_61, %reduce_max3A [1] : vector<768x10xf32> to vector<768xf32>
    %get3A_63 = arith.constant 0 : index
    %get3A_64 = arith.constant 0 : index
    %get3A_65 = vector.load %arg3[%get3A_63, %get3A_64] : memref<768x1xf32, #tpu.memory_space<vmem>>, vector<768x1xf32>
    %squeeze3A = vector.shape_cast %get3A_65 : vector<768x1xf32> to vector<768xf32>
    %gt3A = arith.constant 5.000000e-01 : f32
    %gt3A_66 = vector.broadcast %gt3A : f32 to vector<768xf32>
    %gt3A_67 = arith.cmpf ogt, %squeeze3A, %gt3A_66 : vector<768xf32>
    %jit3A = arith.constant -1.000000e+08 : f32
    %broadcast_in_dim3A_68 = vector.broadcast %jit3A : f32 to vector<768xf32>
    %select_n3A = arith.select %gt3A_67, %reduce_max3A_62, %broadcast_in_dim3A_68 : vector<768xi1>, vector<768xf32>
    %bitcast_convert_type3A = tpu.bitcast %select_n3A : vector<768xf32> -> vector<768xi32>
    %lt3A = arith.constant 0 : i32
    %lt3A_69 = vector.broadcast %lt3A : i32 to vector<768xi32>
    %lt3A_70 = arith.cmpi slt, %bitcast_convert_type3A, %lt3A_69 : vector<768xi32>
    %xor3A = arith.constant 2147483647 : i32
    %xor3A_71 = vector.broadcast %xor3A : i32 to vector<768xi32>
    %xor3A_72 = arith.xori %bitcast_convert_type3A, %xor3A_71 : vector<768xi32>
    %select_n3A_73 = arith.select %lt3A_70, %xor3A_72, %bitcast_convert_type3A : vector<768xi1>, vector<768xi32>
    %swap3A_74 = arith.constant 0 : index
    %swap3A_75 = arith.constant 0 : index
    %swap3A_76 = arith.constant 0 : index
    %swap3A_77 = vector.load %arg23[%swap3A_74, %swap3A_75, %swap3A_76] : memref<1x1x768xi32, #tpu.memory_space<vmem>>, vector<1x1x768xi32>
    %swap3A_78 = vector.shape_cast %swap3A_77 : vector<1x1x768xi32> to vector<768xi32>
    %swap3A_79 = vector.shape_cast %select_n3A_73 : vector<768xi32> to vector<1x1x768xi32>
    tpu.vector_store %arg23[%swap3A_74, %swap3A_75, %swap3A_76], %swap3A_79 {strides = array<i32>} : memref<1x1x768xi32, #tpu.memory_space<vmem>>, vector<1x1x768xi32>,
    %reduce_sum3A_80 = arith.constant dense<0.000000e+00> : vector<768xf32>
    %reduce_sum3A_81 = vector.multi_reduction <add>, %transpose3A, %reduce_sum3A_80 [1] : vector<768x256xf32> to vector<768xf32>
    %broadcast_in_dim3A_82 = vector.shape_cast %reduce_sum3A_81 : vector<768xf32> to vector<768x1xf32>
    %div3A_83 = arith.constant 2.560000e+02 : f32
    %div3A_84 = vector.broadcast %div3A_83 : f32 to vector<768x1xf32>
    %div3A_85 = arith.divf %broadcast_in_dim3A_82, %div3A_84 : vector<768x1xf32>
    %sub3A_86 = vector.broadcast %div3A_85 : vector<768x1xf32> to vector<768x256xf32>
    %sub3A_87 = arith.subf %transpose3A, %sub3A_86 : vector<768x256xf32>
    %mul3A_88 = arith.mulf %sub3A_87, %sub3A_87 : vector<768x256xf32>
    %reduce_sum3A_89 = arith.constant dense<0.000000e+00> : vector<768xf32>
    %reduce_sum3A_90 = vector.multi_reduction <add>, %mul3A_88, %reduce_sum3A_89 [1] : vector<768x256xf32> to vector<768xf32>
    %broadcast_in_dim3A_91 = vector.shape_cast %reduce_sum3A_90 : vector<768xf32> to vector<768x1xf32>
    %div3A_92 = arith.constant 2.560000e+02 : f32
    %div3A_93 = vector.broadcast %div3A_92 : f32 to vector<768x1xf32>
    %div3A_94 = arith.divf %broadcast_in_dim3A_91, %div3A_93 : vector<768x1xf32>
    %add3A_95 = arith.constant 9.99999974E-6 : f32
    %add3A_96 = vector.broadcast %add3A_95 : f32 to vector<768x1xf32>
    %add3A_97 = arith.addf %div3A_94, %add3A_96 : vector<768x1xf32>
    %rsqrt3A_98 = math.rsqrt %add3A_97 : vector<768x1xf32>
    %mul3A_99 = vector.broadcast %rsqrt3A_98 : vector<768x1xf32> to vector<768x256xf32>
    %mul3A_100 = arith.mulf %sub3A_87, %mul3A_99 : vector<768x256xf32>
    %get3A_101 = arith.constant 0 : index
    %get3A_102 = arith.constant 0 : index
    %get3A_103 = vector.load %arg17[%get3A_101, %get3A_102] : memref<1x256xf32, #tpu.memory_space<vmem>>, vector<1x256xf32>
    %mul3A_104 = vector.broadcast %get3A_103 : vector<1x256xf32> to vector<768x256xf32>
    %mul3A_105 = arith.mulf %mul3A_100, %mul3A_104 : vector<768x256xf32>
    %get3A_106 = arith.constant 0 : index
    %get3A_107 = arith.constant 0 : index
    %get3A_108 = vector.load %arg18[%get3A_106, %get3A_107] : memref<1x256xf32, #tpu.memory_space<vmem>>, vector<1x256xf32>
    %add3A_109 = vector.broadcast %get3A_108 : vector<1x256xf32> to vector<768x256xf32>
    %add3A_110 = arith.addf %mul3A_105, %add3A_109 : vector<768x256xf32>
    %get3A_111 = arith.constant 0 : index
    %get3A_112 = arith.constant 0 : index
    %get3A_113 = arith.constant 0 : index
    %get3A_114 = vector.load %arg4[%get3A_111, %get3A_112, %get3A_113] : memref<1x1x14xf32, #tpu.memory_space<vmem>>, vector<1x1x14xf32>
    %get3A_115 = vector.shape_cast %get3A_114 : vector<1x1x14xf32> to vector<1x14xf32>
    %get3A_116 = arith.constant 0 : index
    %get3A_117 = arith.constant 0 : index
    %get3A_118 = vector.load %arg13[%get3A_116, %get3A_117] : memref<14x256xf32, #tpu.memory_space<vmem>>, vector<14x256xf32>
    %dot_general3A_119 = arith.constant dense<0.000000e+00> : vector<1x256xf32>
    %dot_general3A_120 = tpu.matmul %get3A_115, %get3A_118, %dot_general3A_119 {dimension_numbers = #tpu.dot_dimension_numbers<[1], [0], [0], [1], [0, 0, 1, 1], [], []>, transpose_lhs_hint = false} : vector<1x14xf32>, vector<14x256xf32>, vector<1x256xf32> -> vector<1x256xf32>
    %get3A_121 = arith.constant 0 : index
    %get3A_122 = arith.constant 0 : index
    %get3A_123 = vector.load %arg14[%get3A_121, %get3A_122] : memref<1x256xf32, #tpu.memory_space<vmem>>, vector<1x256xf32>
    %add3A_124 = arith.addf %dot_general3A_120, %get3A_123 : vector<1x256xf32>
    %get3A_125 = arith.constant 0 : index
    %get3A_126 = arith.constant 0 : index
    %get3A_127 = vector.load %arg15[%get3A_125, %get3A_126] : memref<14x256xf32, #tpu.memory_space<vmem>>, vector<14x256xf32>
    %dot_general3A_128 = arith.constant dense<0.000000e+00> : vector<1x256xf32>
    %dot_general3A_129 = tpu.matmul %get3A_115, %get3A_127, %dot_general3A_128 {dimension_numbers = #tpu.dot_dimension_numbers<[1], [0], [0], [1], [0, 0, 1, 1], [], []>, transpose_lhs_hint = false} : vector<1x14xf32>, vector<14x256xf32>, vector<1x256xf32> -> vector<1x256xf32>
    %get3A_130 = arith.constant 0 : index
    %get3A_131 = arith.constant 0 : index
    %get3A_132 = vector.load %arg16[%get3A_130, %get3A_131] : memref<1x256xf32, #tpu.memory_space<vmem>>, vector<1x256xf32>
    %add3A_133 = arith.addf %dot_general3A_129, %get3A_132 : vector<1x256xf32>
    %add3A_134 = arith.constant 1.000000e+00 : f32
    %add3A_135 = vector.broadcast %add3A_134 : f32 to vector<1x256xf32>
    %add3A_136 = arith.addf %add3A_135, %add3A_124 : vector<1x256xf32>
    %mul3A_137 = vector.broadcast %add3A_136 : vector<1x256xf32> to vector<768x256xf32>
    %mul3A_138 = arith.mulf %add3A_110, %mul3A_137 : vector<768x256xf32>
    %add3A_139 = vector.broadcast %add3A_133 : vector<1x256xf32> to vector<768x256xf32>
    %add3A_140 = arith.addf %mul3A_138, %add3A_139 : vector<768x256xf32>
    %swap3A_141 = arith.constant 0 : index
    %swap3A_142 = arith.constant 0 : index
    %swap3A_143 = arith.constant 0 : index
    %swap3A_144 = vector.load %arg24[%swap3A_141, %swap3A_142, %swap3A_143] : memref<1x768x256xf32, #tpu.memory_space<vmem>>, vector<1x768x256xf32>
    %swap3A_145 = vector.shape_cast %swap3A_144 : vector<1x768x256xf32> to vector<768x256xf32>
    %swap3A_146 = vector.shape_cast %add3A_140 : vector<768x256xf32> to vector<1x768x256xf32>
    tpu.vector_store %arg24[%swap3A_141, %swap3A_142, %swap3A_143], %swap3A_146 {strides = array<i32>} : memref<1x768x256xf32, #tpu.memory_space<vmem>>, vector<1x768x256xf32>,
    return
  }
  func.func @transform_0(%arg0: i32, %arg1: i32) -> (i32, i32, i32) {
    %c0_i32 = arith.constant 0 : i32
    %c0_i32_0 = arith.constant 0 : i32
    return %arg0, %c0_i32, %arg1 : i32, i32, i32
  }
  func.func @transform_1(%arg0: i32, %arg1: i32) -> (i32, i32) {
    %c0_i32 = arith.constant 0 : i32
    %c0_i32_0 = arith.constant 0 : i32
    return %arg1, %c0_i32 : i32, i32
  }
  func.func @transform_2(%arg0: i32, %arg1: i32) -> (i32, i32, i32) {
    %c0_i32 = arith.constant 0 : i32
    %c0_i32_0 = arith.constant 0 : i32
    %c0_i32_1 = arith.constant 0 : i32
    return %arg0, %c0_i32, %c0_i32_0 : i32, i32, i32
  }
  func.func @transform_3(%arg0: i32, %arg1: i32) -> (i32, i32) {
    %c0_i32 = arith.constant 0 : i32
    %c0_i32_0 = arith.constant 0 : i32
    %c0_i32_1 = arith.constant 0 : i32
    return %c0_i32, %c0_i32_0 : i32, i32
  }
  func.func @transform_4(%arg0: i32, %arg1: i32) -> (i32, i32) {
    %c0_i32 = arith.constant 0 : i32
    %c0_i32_0 = arith.constant 0 : i32
    %c0_i32_1 = arith.constant 0 : i32
    return %c0_i32, %c0_i32_0 : i32, i32
  }
  func.func @transform_5(%arg0: i32, %arg1: i32) -> (i32, i32) {
    %c0_i32 = arith.constant 0 : i32
    %c0_i32_0 = arith.constant 0 : i32
    %c0_i32_1 = arith.constant 0 : i32
    return %c0_i32, %c0_i32_0 : i32, i32
  }
  func.func @transform_6(%arg0: i32, %arg1: i32) -> (i32, i32) {
    %c0_i32 = arith.constant 0 : i32
    %c0_i32_0 = arith.constant 0 : i32
    %c0_i32_1 = arith.constant 0 : i32
    return %c0_i32, %c0_i32_0 : i32, i32
  }
  func.func @transform_7(%arg0: i32, %arg1: i32) -> (i32, i32) {
    %c0_i32 = arith.constant 0 : i32
    %c0_i32_0 = arith.constant 0 : i32
    %c0_i32_1 = arith.constant 0 : i32
    return %c0_i32, %c0_i32_0 : i32, i32
  }
  func.func @transform_8(%arg0: i32, %arg1: i32) -> (i32, i32) {
    %c0_i32 = arith.constant 0 : i32
    %c0_i32_0 = arith.constant 0 : i32
    %c0_i32_1 = arith.constant 0 : i32
    return %c0_i32, %c0_i32_0 : i32, i32
  }
  func.func @transform_9(%arg0: i32, %arg1: i32) -> (i32, i32) {
    %c0_i32 = arith.constant 0 : i32
    %c0_i32_0 = arith.constant 0 : i32
    %c0_i32_1 = arith.constant 0 : i32
    return %c0_i32, %c0_i32_0 : i32, i32
  }
  func.func @transform_10(%arg0: i32, %arg1: i32) -> (i32, i32) {
    %c0_i32 = arith.constant 0 : i32
    %c0_i32_0 = arith.constant 0 : i32
    %c0_i32_1 = arith.constant 0 : i32
    return %c0_i32, %c0_i32_0 : i32, i32
  }
  func.func @transform_11(%arg0: i32, %arg1: i32) -> (i32, i32) {
    %c0_i32 = arith.constant 0 : i32
    %c0_i32_0 = arith.constant 0 : i32
    %c0_i32_1 = arith.constant 0 : i32
    return %c0_i32, %c0_i32_0 : i32, i32
  }
  func.func @transform_12(%arg0: i32, %arg1: i32) -> (i32, i32) {
    %c0_i32 = arith.constant 0 : i32
    %c0_i32_0 = arith.constant 0 : i32
    %c0_i32_1 = arith.constant 0 : i32
    return %c0_i32, %c0_i32_0 : i32, i32
  }
  func.func @transform_13(%arg0: i32, %arg1: i32) -> (i32, i32) {
    %c0_i32 = arith.constant 0 : i32
    %c0_i32_0 = arith.constant 0 : i32
    %c0_i32_1 = arith.constant 0 : i32
    return %c0_i32, %c0_i32_0 : i32, i32
  }
  func.func @transform_14(%arg0: i32, %arg1: i32) -> (i32, i32) {
    %c0_i32 = arith.constant 0 : i32
    %c0_i32_0 = arith.constant 0 : i32
    %c0_i32_1 = arith.constant 0 : i32
    return %c0_i32, %c0_i32_0 : i32, i32
  }
  func.func @transform_15(%arg0: i32, %arg1: i32) -> (i32, i32) {
    %c0_i32 = arith.constant 0 : i32
    %c0_i32_0 = arith.constant 0 : i32
    %c0_i32_1 = arith.constant 0 : i32
    return %c0_i32, %c0_i32_0 : i32, i32
  }
  func.func @transform_16(%arg0: i32, %arg1: i32) -> (i32, i32) {
    %c0_i32 = arith.constant 0 : i32
    %c0_i32_0 = arith.constant 0 : i32
    %c0_i32_1 = arith.constant 0 : i32
    return %c0_i32, %c0_i32_0 : i32, i32
  }
  func.func @transform_20(%arg0: i32, %arg1: i32) -> (i32, i32, i32) {
    %add3A = arith.constant 12 : i32
    %add3A_0 = arith.addi %add3A, %arg1 : i32
    %c0_i32 = arith.constant 0 : i32
    %c0_i32_1 = arith.constant 0 : i32
    return %arg0, %add3A_0, %c0_i32 : i32, i32, i32
  }
  func.func @transform_21(%arg0: i32, %arg1: i32) -> (i32, i32, i32) {
    %add3A = arith.constant 12 : i32
    %add3A_0 = arith.addi %add3A, %arg1 : i32
    %c0_i32 = arith.constant 0 : i32
    %c0_i32_1 = arith.constant 0 : i32
    return %arg0, %c0_i32, %add3A_0 : i32, i32, i32
  }
  func.func @transform_22(%arg0: i32, %arg1: i32) -> (i32, i32, i32) {
    %add3A = arith.constant 12 : i32
    %add3A_0 = arith.addi %add3A, %arg1 : i32
    %c0_i32 = arith.constant 0 : i32
    %c0_i32_1 = arith.constant 0 : i32
    return %arg0, %add3A_0, %c0_i32 : i32, i32, i32
  }
}

module attributes {stable_mosaic.version = 14 : i64} {
  func.func @_enc_body(%arg0: i32, %arg1: i32, %arg2: memref<1x256x576xf32, #tpu.memory_space<vmem>>, %arg3: memref<576x1xf32, #tpu.memory_space<vmem>>, %arg4: memref<1x1x14xf32, #tpu.memory_space<vmem>>, %arg5: memref<256x256xf32, #tpu.memory_space<vmem>>, %arg6: memref<1x256xf32, #tpu.memory_space<vmem>>, %arg7: memref<256x256xf32, #tpu.memory_space<vmem>>, %arg8: memref<1x256xf32, #tpu.memory_space<vmem>>, %arg9: memref<1x256xf32, #tpu.memory_space<vmem>>, %arg10: memref<1x256xf32, #tpu.memory_space<vmem>>, %arg11: memref<256x10xf32, #tpu.memory_space<vmem>>, %arg12: memref<1x10xf32, #tpu.memory_space<vmem>>, %arg13: memref<14x256xf32, #tpu.memory_space<vmem>>, %arg14: memref<1x256xf32, #tpu.memory_space<vmem>>, %arg15: memref<14x256xf32, #tpu.memory_space<vmem>>, %arg16: memref<1x256xf32, #tpu.memory_space<vmem>>, %arg17: memref<1x256xf32, #tpu.memory_space<vmem>>, %arg18: memref<1x256xf32, #tpu.memory_space<vmem>>, %arg19: memref<6x12096x256xf32, #tpu.memory_space<any>>, %arg20: memref<6x1x12288xi32, #tpu.memory_space<any>>, %arg21: memref<1x576x256xf32, #tpu.memory_space<vmem>>, %arg22: memref<1x1x768xi32, #tpu.memory_space<vmem>>) attributes {dimension_semantics = [#tpu.dimension_semantics<arbitrary>, #tpu.dimension_semantics<arbitrary>], iteration_bounds = array<i64: 6, 1>, scalar_prefetch = 0 : i64, scratch_operands = 0 : i64, tpu.core_type = #tpu.core_type<tc>, window_params = [{transform_indices = @transform_0, window_bounds = array<i64: 1, 256, 576>}, {transform_indices = @transform_1, window_bounds = array<i64: 576, 1>}, {transform_indices = @transform_2, window_bounds = array<i64: 1, 1, 14>}, {pipeline_mode = #tpu.pipeline_mode<synchronous>, transform_indices = @transform_3, window_bounds = array<i64: 256, 256>}, {pipeline_mode = #tpu.pipeline_mode<synchronous>, transform_indices = @transform_4, window_bounds = array<i64: 1, 256>}, {pipeline_mode = #tpu.pipeline_mode<synchronous>, transform_indices = @transform_5, window_bounds = array<i64: 256, 256>}, {pipeline_mode = #tpu.pipeline_mode<synchronous>, transform_indices = @transform_6, window_bounds = array<i64: 1, 256>}, {pipeline_mode = #tpu.pipeline_mode<synchronous>, transform_indices = @transform_7, window_bounds = array<i64: 1, 256>}, {pipeline_mode = #tpu.pipeline_mode<synchronous>, transform_indices = @transform_8, window_bounds = array<i64: 1, 256>}, {pipeline_mode = #tpu.pipeline_mode<synchronous>, transform_indices = @transform_9, window_bounds = array<i64: 256, 10>}, {pipeline_mode = #tpu.pipeline_mode<synchronous>, transform_indices = @transform_10, window_bounds = array<i64: 1, 10>}, {pipeline_mode = #tpu.pipeline_mode<synchronous>, transform_indices = @transform_11, window_bounds = array<i64: 14, 256>}, {pipeline_mode = #tpu.pipeline_mode<synchronous>, transform_indices = @transform_12, window_bounds = array<i64: 1, 256>}, {pipeline_mode = #tpu.pipeline_mode<synchronous>, transform_indices = @transform_13, window_bounds = array<i64: 14, 256>}, {pipeline_mode = #tpu.pipeline_mode<synchronous>, transform_indices = @transform_14, window_bounds = array<i64: 1, 256>}, {pipeline_mode = #tpu.pipeline_mode<synchronous>, transform_indices = @transform_15, window_bounds = array<i64: 1, 256>}, {pipeline_mode = #tpu.pipeline_mode<synchronous>, transform_indices = @transform_16, window_bounds = array<i64: 1, 256>}, {}, {}, {transform_indices = @transform_19, window_bounds = array<i64: 1, 576, 256>}, {transform_indices = @transform_20, window_bounds = array<i64: 1, 1, 768>}]} {
    %get3A = arith.constant 0 : index
    %get3A_0 = arith.constant 0 : index
    %get3A_1 = arith.constant 0 : index
    %get3A_2 = vector.load %arg2[%get3A, %get3A_0, %get3A_1] : memref<1x256x576xf32, #tpu.memory_space<vmem>>, vector<1x256x576xf32>
    %get3A_3 = vector.shape_cast %get3A_2 : vector<1x256x576xf32> to vector<256x576xf32>
    %transpose3A = tpu.transpose %get3A_3, [1, 0] : vector<256x576xf32> -> vector<576x256xf32>
    %get3A_4 = arith.constant 0 : index
    %get3A_5 = arith.constant 0 : index
    %get3A_6 = vector.load %arg5[%get3A_4, %get3A_5] : memref<256x256xf32, #tpu.memory_space<vmem>>, vector<256x256xf32>
    %dot_general3A = arith.constant dense<0.000000e+00> : vector<576x256xf32>
    %dot_general3A_7 = tpu.matmul %transpose3A, %get3A_6, %dot_general3A {dimension_numbers = #tpu.dot_dimension_numbers<[1], [0], [0], [1], [0, 0, 1, 1], [], []>, transpose_lhs_hint = false} : vector<576x256xf32>, vector<256x256xf32>, vector<576x256xf32> -> vector<576x256xf32>
    %get3A_8 = arith.constant 0 : index
    %get3A_9 = arith.constant 0 : index
    %get3A_10 = vector.load %arg6[%get3A_8, %get3A_9] : memref<1x256xf32, #tpu.memory_space<vmem>>, vector<1x256xf32>
    %add3A = vector.broadcast %get3A_10 : vector<1x256xf32> to vector<576x256xf32>
    %add3A_11 = arith.addf %dot_general3A_7, %add3A : vector<576x256xf32>
    %get3A_12 = arith.constant 0 : index
    %get3A_13 = arith.constant 0 : index
    %get3A_14 = vector.load %arg7[%get3A_12, %get3A_13] : memref<256x256xf32, #tpu.memory_space<vmem>>, vector<256x256xf32>
    %dot_general3A_15 = arith.constant dense<0.000000e+00> : vector<576x256xf32>
    %dot_general3A_16 = tpu.matmul %add3A_11, %get3A_14, %dot_general3A_15 {dimension_numbers = #tpu.dot_dimension_numbers<[1], [0], [0], [1], [0, 0, 1, 1], [], []>, transpose_lhs_hint = false} : vector<576x256xf32>, vector<256x256xf32>, vector<576x256xf32> -> vector<576x256xf32>
    %get3A_17 = arith.constant 0 : index
    %get3A_18 = arith.constant 0 : index
    %get3A_19 = vector.load %arg8[%get3A_17, %get3A_18] : memref<1x256xf32, #tpu.memory_space<vmem>>, vector<1x256xf32>
    %add3A_20 = vector.broadcast %get3A_19 : vector<1x256xf32> to vector<576x256xf32>
    %add3A_21 = arith.addf %dot_general3A_16, %add3A_20 : vector<576x256xf32>
    %reduce_sum3A = arith.constant dense<0.000000e+00> : vector<576xf32>
    %reduce_sum3A_22 = vector.multi_reduction <add>, %add3A_21, %reduce_sum3A [1] : vector<576x256xf32> to vector<576xf32>
    %broadcast_in_dim3A = vector.shape_cast %reduce_sum3A_22 : vector<576xf32> to vector<576x1xf32>
    %div3A = arith.constant 2.560000e+02 : f32
    %div3A_23 = vector.broadcast %div3A : f32 to vector<576x1xf32>
    %div3A_24 = arith.divf %broadcast_in_dim3A, %div3A_23 : vector<576x1xf32>
    %sub3A = vector.broadcast %div3A_24 : vector<576x1xf32> to vector<576x256xf32>
    %sub3A_25 = arith.subf %add3A_21, %sub3A : vector<576x256xf32>
    %mul3A = arith.mulf %sub3A_25, %sub3A_25 : vector<576x256xf32>
    %reduce_sum3A_26 = arith.constant dense<0.000000e+00> : vector<576xf32>
    %reduce_sum3A_27 = vector.multi_reduction <add>, %mul3A, %reduce_sum3A_26 [1] : vector<576x256xf32> to vector<576xf32>
    %broadcast_in_dim3A_28 = vector.shape_cast %reduce_sum3A_27 : vector<576xf32> to vector<576x1xf32>
    %div3A_29 = arith.constant 2.560000e+02 : f32
    %div3A_30 = vector.broadcast %div3A_29 : f32 to vector<576x1xf32>
    %div3A_31 = arith.divf %broadcast_in_dim3A_28, %div3A_30 : vector<576x1xf32>
    %add3A_32 = arith.constant 9.99999974E-6 : f32
    %add3A_33 = vector.broadcast %add3A_32 : f32 to vector<576x1xf32>
    %add3A_34 = arith.addf %div3A_31, %add3A_33 : vector<576x1xf32>
    %rsqrt3A = math.rsqrt %add3A_34 : vector<576x1xf32>
    %mul3A_35 = vector.broadcast %rsqrt3A : vector<576x1xf32> to vector<576x256xf32>
    %mul3A_36 = arith.mulf %sub3A_25, %mul3A_35 : vector<576x256xf32>
    %get3A_37 = arith.constant 0 : index
    %get3A_38 = arith.constant 0 : index
    %get3A_39 = vector.load %arg9[%get3A_37, %get3A_38] : memref<1x256xf32, #tpu.memory_space<vmem>>, vector<1x256xf32>
    %mul3A_40 = vector.broadcast %get3A_39 : vector<1x256xf32> to vector<576x256xf32>
    %mul3A_41 = arith.mulf %mul3A_36, %mul3A_40 : vector<576x256xf32>
    %get3A_42 = arith.constant 0 : index
    %get3A_43 = arith.constant 0 : index
    %get3A_44 = vector.load %arg10[%get3A_42, %get3A_43] : memref<1x256xf32, #tpu.memory_space<vmem>>, vector<1x256xf32>
    %add3A_45 = vector.broadcast %get3A_44 : vector<1x256xf32> to vector<576x256xf32>
    %add3A_46 = arith.addf %mul3A_41, %add3A_45 : vector<576x256xf32>
    %swap3A = arith.constant 0 : index
    %swap3A_47 = arith.constant 0 : index
    %swap3A_48 = arith.constant 0 : index
    %swap3A_49 = vector.load %arg21[%swap3A, %swap3A_47, %swap3A_48] : memref<1x576x256xf32, #tpu.memory_space<vmem>>, vector<1x576x256xf32>
    %swap3A_50 = vector.shape_cast %swap3A_49 : vector<1x576x256xf32> to vector<576x256xf32>
    %swap3A_51 = vector.shape_cast %add3A_46 : vector<576x256xf32> to vector<1x576x256xf32>
    tpu.vector_store %arg21[%swap3A, %swap3A_47, %swap3A_48], %swap3A_51 {strides = array<i32>} : memref<1x576x256xf32, #tpu.memory_space<vmem>>, vector<1x576x256xf32>,
    %get3A_52 = arith.constant 0 : index
    %get3A_53 = arith.constant 0 : index
    %get3A_54 = vector.load %arg11[%get3A_52, %get3A_53] : memref<256x10xf32, #tpu.memory_space<vmem>>, vector<256x10xf32>
    %dot_general3A_55 = arith.constant dense<0.000000e+00> : vector<576x10xf32>
    %dot_general3A_56 = tpu.matmul %add3A_46, %get3A_54, %dot_general3A_55 {dimension_numbers = #tpu.dot_dimension_numbers<[1], [0], [0], [1], [0, 0, 1, 1], [], []>, transpose_lhs_hint = false} : vector<576x256xf32>, vector<256x10xf32>, vector<576x10xf32> -> vector<576x10xf32>
    %get3A_57 = arith.constant 0 : index
    %get3A_58 = arith.constant 0 : index
    %get3A_59 = vector.load %arg12[%get3A_57, %get3A_58] : memref<1x10xf32, #tpu.memory_space<vmem>>, vector<1x10xf32>
    %add3A_60 = vector.broadcast %get3A_59 : vector<1x10xf32> to vector<576x10xf32>
    %add3A_61 = arith.addf %dot_general3A_56, %add3A_60 : vector<576x10xf32>
    %reduce_max3A = arith.constant dense<0xFF800000> : vector<576xf32>
    %reduce_max3A_62 = vector.multi_reduction <maximumf>, %add3A_61, %reduce_max3A [1] : vector<576x10xf32> to vector<576xf32>
    %get3A_63 = arith.constant 0 : index
    %get3A_64 = arith.constant 0 : index
    %get3A_65 = vector.load %arg3[%get3A_63, %get3A_64] : memref<576x1xf32, #tpu.memory_space<vmem>>, vector<576x1xf32>
    %squeeze3A = vector.shape_cast %get3A_65 : vector<576x1xf32> to vector<576xf32>
    %gt3A = arith.constant 5.000000e-01 : f32
    %gt3A_66 = vector.broadcast %gt3A : f32 to vector<576xf32>
    %gt3A_67 = arith.cmpf ogt, %squeeze3A, %gt3A_66 : vector<576xf32>
    %jit3A = arith.constant -1.000000e+08 : f32
    %broadcast_in_dim3A_68 = vector.broadcast %jit3A : f32 to vector<576xf32>
    %select_n3A = arith.select %gt3A_67, %reduce_max3A_62, %broadcast_in_dim3A_68 : vector<576xi1>, vector<576xf32>
    %bitcast_convert_type3A = tpu.bitcast %select_n3A : vector<576xf32> -> vector<576xi32>
    %lt3A = arith.constant 0 : i32
    %lt3A_69 = vector.broadcast %lt3A : i32 to vector<576xi32>
    %lt3A_70 = arith.cmpi slt, %bitcast_convert_type3A, %lt3A_69 : vector<576xi32>
    %xor3A = arith.constant 2147483647 : i32
    %xor3A_71 = vector.broadcast %xor3A : i32 to vector<576xi32>
    %xor3A_72 = arith.xori %bitcast_convert_type3A, %xor3A_71 : vector<576xi32>
    %select_n3A_73 = arith.select %lt3A_70, %xor3A_72, %bitcast_convert_type3A : vector<576xi1>, vector<576xi32>
    %swap3A_74 = arith.constant 0 : index
    %swap3A_75 = arith.constant 0 : index
    %swap3A_76 = arith.constant 0 : index
    %swap3A_77 = vector.load %arg22[%swap3A_74, %swap3A_75, %swap3A_76] : memref<1x1x768xi32, #tpu.memory_space<vmem>>, vector<1x1x576xi32>
    %swap3A_78 = vector.shape_cast %swap3A_77 : vector<1x1x576xi32> to vector<576xi32>
    %swap3A_79 = vector.shape_cast %select_n3A_73 : vector<576xi32> to vector<1x1x576xi32>
    tpu.vector_store %arg22[%swap3A_74, %swap3A_75, %swap3A_76], %swap3A_79 {strides = array<i32>} : memref<1x1x768xi32, #tpu.memory_space<vmem>>, vector<1x1x576xi32>,
    %broadcast_in_dim3A_80 = arith.constant -1287568417 : i32
    %broadcast_in_dim3A_81 = vector.broadcast %broadcast_in_dim3A_80 : i32 to vector<192xi32>
    %swap3A_82 = arith.constant 0 : index
    %swap3A_83 = arith.constant 0 : index
    %swap3A_84 = arith.constant 576 : index
    %swap3A_85 = vector.load %arg22[%swap3A_82, %swap3A_83, %swap3A_84] : memref<1x1x768xi32, #tpu.memory_space<vmem>>, vector<1x1x192xi32>
    %swap3A_86 = vector.shape_cast %swap3A_85 : vector<1x1x192xi32> to vector<192xi32>
    %swap3A_87 = vector.shape_cast %broadcast_in_dim3A_81 : vector<192xi32> to vector<1x1x192xi32>
    tpu.vector_store %arg22[%swap3A_82, %swap3A_83, %swap3A_84], %swap3A_87 {strides = array<i32>} : memref<1x1x768xi32, #tpu.memory_space<vmem>>, vector<1x1x192xi32>,
    return
  }
  func.func @transform_0(%arg0: i32, %arg1: i32) -> (i32, i32, i32) {
    %c0_i32 = arith.constant 0 : i32
    %c0_i32_0 = arith.constant 0 : i32
    return %arg0, %c0_i32, %arg1 : i32, i32, i32
  }
  func.func @transform_1(%arg0: i32, %arg1: i32) -> (i32, i32) {
    %c0_i32 = arith.constant 0 : i32
    %c0_i32_0 = arith.constant 0 : i32
    return %arg1, %c0_i32 : i32, i32
  }
  func.func @transform_2(%arg0: i32, %arg1: i32) -> (i32, i32, i32) {
    %c0_i32 = arith.constant 0 : i32
    %c0_i32_0 = arith.constant 0 : i32
    %c0_i32_1 = arith.constant 0 : i32
    return %arg0, %c0_i32, %c0_i32_0 : i32, i32, i32
  }
  func.func @transform_3(%arg0: i32, %arg1: i32) -> (i32, i32) {
    %c0_i32 = arith.constant 0 : i32
    %c0_i32_0 = arith.constant 0 : i32
    %c0_i32_1 = arith.constant 0 : i32
    return %c0_i32, %c0_i32_0 : i32, i32
  }
  func.func @transform_4(%arg0: i32, %arg1: i32) -> (i32, i32) {
    %c0_i32 = arith.constant 0 : i32
    %c0_i32_0 = arith.constant 0 : i32
    %c0_i32_1 = arith.constant 0 : i32
    return %c0_i32, %c0_i32_0 : i32, i32
  }
  func.func @transform_5(%arg0: i32, %arg1: i32) -> (i32, i32) {
    %c0_i32 = arith.constant 0 : i32
    %c0_i32_0 = arith.constant 0 : i32
    %c0_i32_1 = arith.constant 0 : i32
    return %c0_i32, %c0_i32_0 : i32, i32
  }
  func.func @transform_6(%arg0: i32, %arg1: i32) -> (i32, i32) {
    %c0_i32 = arith.constant 0 : i32
    %c0_i32_0 = arith.constant 0 : i32
    %c0_i32_1 = arith.constant 0 : i32
    return %c0_i32, %c0_i32_0 : i32, i32
  }
  func.func @transform_7(%arg0: i32, %arg1: i32) -> (i32, i32) {
    %c0_i32 = arith.constant 0 : i32
    %c0_i32_0 = arith.constant 0 : i32
    %c0_i32_1 = arith.constant 0 : i32
    return %c0_i32, %c0_i32_0 : i32, i32
  }
  func.func @transform_8(%arg0: i32, %arg1: i32) -> (i32, i32) {
    %c0_i32 = arith.constant 0 : i32
    %c0_i32_0 = arith.constant 0 : i32
    %c0_i32_1 = arith.constant 0 : i32
    return %c0_i32, %c0_i32_0 : i32, i32
  }
  func.func @transform_9(%arg0: i32, %arg1: i32) -> (i32, i32) {
    %c0_i32 = arith.constant 0 : i32
    %c0_i32_0 = arith.constant 0 : i32
    %c0_i32_1 = arith.constant 0 : i32
    return %c0_i32, %c0_i32_0 : i32, i32
  }
  func.func @transform_10(%arg0: i32, %arg1: i32) -> (i32, i32) {
    %c0_i32 = arith.constant 0 : i32
    %c0_i32_0 = arith.constant 0 : i32
    %c0_i32_1 = arith.constant 0 : i32
    return %c0_i32, %c0_i32_0 : i32, i32
  }
  func.func @transform_11(%arg0: i32, %arg1: i32) -> (i32, i32) {
    %c0_i32 = arith.constant 0 : i32
    %c0_i32_0 = arith.constant 0 : i32
    %c0_i32_1 = arith.constant 0 : i32
    return %c0_i32, %c0_i32_0 : i32, i32
  }
  func.func @transform_12(%arg0: i32, %arg1: i32) -> (i32, i32) {
    %c0_i32 = arith.constant 0 : i32
    %c0_i32_0 = arith.constant 0 : i32
    %c0_i32_1 = arith.constant 0 : i32
    return %c0_i32, %c0_i32_0 : i32, i32
  }
  func.func @transform_13(%arg0: i32, %arg1: i32) -> (i32, i32) {
    %c0_i32 = arith.constant 0 : i32
    %c0_i32_0 = arith.constant 0 : i32
    %c0_i32_1 = arith.constant 0 : i32
    return %c0_i32, %c0_i32_0 : i32, i32
  }
  func.func @transform_14(%arg0: i32, %arg1: i32) -> (i32, i32) {
    %c0_i32 = arith.constant 0 : i32
    %c0_i32_0 = arith.constant 0 : i32
    %c0_i32_1 = arith.constant 0 : i32
    return %c0_i32, %c0_i32_0 : i32, i32
  }
  func.func @transform_15(%arg0: i32, %arg1: i32) -> (i32, i32) {
    %c0_i32 = arith.constant 0 : i32
    %c0_i32_0 = arith.constant 0 : i32
    %c0_i32_1 = arith.constant 0 : i32
    return %c0_i32, %c0_i32_0 : i32, i32
  }
  func.func @transform_16(%arg0: i32, %arg1: i32) -> (i32, i32) {
    %c0_i32 = arith.constant 0 : i32
    %c0_i32_0 = arith.constant 0 : i32
    %c0_i32_1 = arith.constant 0 : i32
    return %c0_i32, %c0_i32_0 : i32, i32
  }
  func.func @transform_19(%arg0: i32, %arg1: i32) -> (i32, i32, i32) {
    %add3A = arith.constant 20 : i32
    %add3A_0 = arith.addi %add3A, %arg1 : i32
    %c0_i32 = arith.constant 0 : i32
    %c0_i32_1 = arith.constant 0 : i32
    return %arg0, %add3A_0, %c0_i32 : i32, i32, i32
  }
  func.func @transform_20(%arg0: i32, %arg1: i32) -> (i32, i32, i32) {
    %add3A = arith.constant 15 : i32
    %add3A_0 = arith.addi %add3A, %arg1 : i32
    %c0_i32 = arith.constant 0 : i32
    %c0_i32_1 = arith.constant 0 : i32
    return %arg0, %c0_i32, %add3A_0 : i32, i32, i32
  }
}

module attributes {stable_mosaic.version = 14 : i64} {
  func.func @_query_body(%arg0: memref<200x256xf32, #tpu.memory_space<vmem>>, %arg1: memref<200x4xf32, #tpu.memory_space<vmem>>, %arg2: memref<200x16xf32, #tpu.memory_space<vmem>>, %arg3: memref<200x12xf32, #tpu.memory_space<vmem>>, %arg4: memref<256x256xf32, #tpu.memory_space<vmem>>, %arg5: memref<1x256xf32, #tpu.memory_space<vmem>>, %arg6: memref<256x4xf32, #tpu.memory_space<vmem>>, %arg7: memref<1x4xf32, #tpu.memory_space<vmem>>, %arg8: memref<256x64xf32, #tpu.memory_space<vmem>>, %arg9: memref<16x64xf32, #tpu.memory_space<vmem>>, %arg10: memref<1x64xf32, #tpu.memory_space<vmem>>, %arg11: memref<1x64xf32, #tpu.memory_space<vmem>>, %arg12: memref<200x64xf32, #tpu.memory_space<vmem>>, %arg13: memref<200x64xf32, #tpu.memory_space<vmem>>, %arg14: memref<200x64xf32, #tpu.memory_space<vmem>>, %arg15: memref<200x64xf32, #tpu.memory_space<vmem>>) attributes {dimension_semantics = [], scalar_prefetch = 0 : i64, scratch_operands = 0 : i64, tpu.core_type = #tpu.core_type<tc>} {
    %get3A = arith.constant 0 : index
    %get3A_0 = arith.constant 0 : index
    %get3A_1 = vector.load %arg0[%get3A, %get3A_0] : memref<200x256xf32, #tpu.memory_space<vmem>>, vector<200x256xf32>
    %get3A_2 = arith.constant 0 : index
    %get3A_3 = arith.constant 0 : index
    %get3A_4 = vector.load %arg4[%get3A_2, %get3A_3] : memref<256x256xf32, #tpu.memory_space<vmem>>, vector<256x256xf32>
    %dot_general3A = arith.constant dense<0.000000e+00> : vector<200x256xf32>
    %dot_general3A_5 = tpu.matmul %get3A_1, %get3A_4, %dot_general3A {dimension_numbers = #tpu.dot_dimension_numbers<[1], [0], [0], [1], [0, 0, 1, 1], [], []>, transpose_lhs_hint = false} : vector<200x256xf32>, vector<256x256xf32>, vector<200x256xf32> -> vector<200x256xf32>
    %get3A_6 = arith.constant 0 : index
    %get3A_7 = arith.constant 0 : index
    %get3A_8 = vector.load %arg5[%get3A_6, %get3A_7] : memref<1x256xf32, #tpu.memory_space<vmem>>, vector<1x256xf32>
    %add3A = vector.broadcast %get3A_8 : vector<1x256xf32> to vector<200x256xf32>
    %add3A_9 = arith.addf %dot_general3A_5, %add3A : vector<200x256xf32>
    %max3A = arith.constant 0.000000e+00 : f32
    %max3A_10 = vector.broadcast %max3A : f32 to vector<200x256xf32>
    %max3A_11 = arith.maximumf %add3A_9, %max3A_10 : vector<200x256xf32>
    %get3A_12 = arith.constant 0 : index
    %get3A_13 = arith.constant 0 : index
    %get3A_14 = vector.load %arg6[%get3A_12, %get3A_13] : memref<256x4xf32, #tpu.memory_space<vmem>>, vector<256x4xf32>
    %dot_general3A_15 = arith.constant dense<0.000000e+00> : vector<200x4xf32>
    %dot_general3A_16 = tpu.matmul %max3A_11, %get3A_14, %dot_general3A_15 {dimension_numbers = #tpu.dot_dimension_numbers<[1], [0], [0], [1], [0, 0, 1, 1], [], []>, transpose_lhs_hint = false} : vector<200x256xf32>, vector<256x4xf32>, vector<200x4xf32> -> vector<200x4xf32>
    %get3A_17 = arith.constant 0 : index
    %get3A_18 = arith.constant 0 : index
    %get3A_19 = vector.load %arg7[%get3A_17, %get3A_18] : memref<1x4xf32, #tpu.memory_space<vmem>>, vector<1x4xf32>
    %add3A_20 = vector.broadcast %get3A_19 : vector<1x4xf32> to vector<200x4xf32>
    %add3A_21 = arith.addf %dot_general3A_16, %add3A_20 : vector<200x4xf32>
    %get3A_22 = arith.constant 0 : index
    %get3A_23 = arith.constant 0 : index
    %get3A_24 = vector.load %arg1[%get3A_22, %get3A_23] : memref<200x4xf32, #tpu.memory_space<vmem>>, vector<200x4xf32>
    %add3A_25 = arith.addf %add3A_21, %get3A_24 : vector<200x4xf32>
    %logistic3A = arith.negf %add3A_25 : vector<200x4xf32>
    %logistic3A_26 = math.exp %logistic3A : vector<200x4xf32>
    %logistic3A_27 = arith.constant 1.000000e+00 : f32
    %logistic3A_28 = vector.broadcast %logistic3A_27 : f32 to vector<200x4xf32>
    %logistic3A_29 = arith.addf %logistic3A_28, %logistic3A_26 : vector<200x4xf32>
    %logistic3A_30 = arith.divf %logistic3A_28, %logistic3A_29 : vector<200x4xf32>
    %get3A_31 = arith.constant 0 : index
    %get3A_32 = arith.constant 0 : index
    %get3A_33 = vector.load %arg8[%get3A_31, %get3A_32] : memref<256x64xf32, #tpu.memory_space<vmem>>, vector<256x64xf32>
    %dot_general3A_34 = arith.constant dense<0.000000e+00> : vector<200x64xf32>
    %dot_general3A_35 = tpu.matmul %get3A_1, %get3A_33, %dot_general3A_34 {dimension_numbers = #tpu.dot_dimension_numbers<[1], [0], [0], [1], [0, 0, 1, 1], [], []>, transpose_lhs_hint = false} : vector<200x256xf32>, vector<256x64xf32>, vector<200x64xf32> -> vector<200x64xf32>
    %get3A_36 = arith.constant 0 : index
    %get3A_37 = arith.constant 0 : index
    %get3A_38 = vector.load %arg2[%get3A_36, %get3A_37] : memref<200x16xf32, #tpu.memory_space<vmem>>, vector<200x16xf32>
    %get3A_39 = arith.constant 0 : index
    %get3A_40 = arith.constant 0 : index
    %get3A_41 = vector.load %arg9[%get3A_39, %get3A_40] : memref<16x64xf32, #tpu.memory_space<vmem>>, vector<16x64xf32>
    %dot_general3A_42 = arith.constant dense<0.000000e+00> : vector<200x64xf32>
    %dot_general3A_43 = tpu.matmul %get3A_38, %get3A_41, %dot_general3A_42 {dimension_numbers = #tpu.dot_dimension_numbers<[1], [0], [0], [1], [0, 0, 1, 1], [], []>, transpose_lhs_hint = false} : vector<200x16xf32>, vector<16x64xf32>, vector<200x64xf32> -> vector<200x64xf32>
    %add3A_44 = arith.addf %dot_general3A_35, %dot_general3A_43 : vector<200x64xf32>
    %get3A_45 = arith.constant 0 : index
    %get3A_46 = arith.constant 0 : index
    %get3A_47 = vector.load %arg10[%get3A_45, %get3A_46] : memref<1x64xf32, #tpu.memory_space<vmem>>, vector<1x64xf32>
    %add3A_48 = vector.broadcast %get3A_47 : vector<1x64xf32> to vector<200x64xf32>
    %add3A_49 = arith.addf %add3A_44, %add3A_48 : vector<200x64xf32>
    %reduce_max3A = arith.constant dense<0xFF800000> : vector<200xf32>
    %reduce_max3A_50 = vector.multi_reduction <maximumf>, %add3A_49, %reduce_max3A [1] : vector<200x64xf32> to vector<200xf32>
    %broadcast_in_dim3A = vector.shape_cast %reduce_max3A_50 : vector<200xf32> to vector<200x1xf32>
    %sub3A = vector.broadcast %broadcast_in_dim3A : vector<200x1xf32> to vector<200x64xf32>
    %sub3A_51 = arith.subf %add3A_49, %sub3A : vector<200x64xf32>
    %exp3A = math.exp %sub3A_51 : vector<200x64xf32>
    %reduce_sum3A = arith.constant dense<0.000000e+00> : vector<200xf32>
    %reduce_sum3A_52 = vector.multi_reduction <add>, %exp3A, %reduce_sum3A [1] : vector<200x64xf32> to vector<200xf32>
    %broadcast_in_dim3A_53 = vector.shape_cast %reduce_sum3A_52 : vector<200xf32> to vector<200x1xf32>
    %div3A = vector.broadcast %broadcast_in_dim3A_53 : vector<200x1xf32> to vector<200x64xf32>
    %div3A_54 = arith.divf %exp3A, %div3A : vector<200x64xf32>
    %get3A_55 = arith.constant 0 : index
    %get3A_56 = arith.constant 0 : index
    %get3A_57 = vector.load %arg11[%get3A_55, %get3A_56] : memref<1x64xf32, #tpu.memory_space<vmem>>, vector<1x64xf32>
    %slice3A = vector.extract_strided_slice %logistic3A_30 {offsets = [0, 0], sizes = [200, 1], strides = [1, 1]} : vector<200x4xf32> to vector<200x1xf32>
    %mul3A = arith.constant 1.024000e+03 : f32
    %mul3A_58 = vector.broadcast %mul3A : f32 to vector<200x1xf32>
    %mul3A_59 = arith.mulf %slice3A, %mul3A_58 : vector<200x1xf32>
    %slice3A_60 = vector.extract_strided_slice %logistic3A_30 {offsets = [0, 1], sizes = [200, 1], strides = [1, 1]} : vector<200x4xf32> to vector<200x1xf32>
    %mul3A_61 = arith.constant 5.760000e+02 : f32
    %mul3A_62 = vector.broadcast %mul3A_61 : f32 to vector<200x1xf32>
    %mul3A_63 = arith.mulf %slice3A_60, %mul3A_62 : vector<200x1xf32>
    %mul3A_64 = vector.broadcast %mul3A_59 : vector<200x1xf32> to vector<200x64xf32>
    %mul3A_65 = vector.broadcast %get3A_57 : vector<1x64xf32> to vector<200x64xf32>
    %mul3A_66 = arith.mulf %mul3A_64, %mul3A_65 : vector<200x64xf32>
    %mul3A_67 = vector.broadcast %mul3A_63 : vector<200x1xf32> to vector<200x64xf32>
    %mul3A_68 = vector.broadcast %get3A_57 : vector<1x64xf32> to vector<200x64xf32>
    %mul3A_69 = arith.mulf %mul3A_67, %mul3A_68 : vector<200x64xf32>
    %get3A_70 = arith.constant 0 : index
    %get3A_71 = arith.constant 0 : index
    %get3A_72 = vector.load %arg3[%get3A_70, %get3A_71] : memref<200x12xf32, #tpu.memory_space<vmem>>, vector<200x12xf32>
    %slice3A_73 = vector.extract_strided_slice %get3A_72 {offsets = [0, 0], sizes = [200, 1], strides = [1, 1]} : vector<200x12xf32> to vector<200x1xf32>
    %mul3A_74 = vector.broadcast %slice3A_73 : vector<200x1xf32> to vector<200x64xf32>
    %mul3A_75 = arith.mulf %mul3A_74, %mul3A_66 : vector<200x64xf32>
    %slice3A_76 = vector.extract_strided_slice %get3A_72 {offsets = [0, 1], sizes = [200, 1], strides = [1, 1]} : vector<200x12xf32> to vector<200x1xf32>
    %mul3A_77 = vector.broadcast %slice3A_76 : vector<200x1xf32> to vector<200x64xf32>
    %mul3A_78 = arith.mulf %mul3A_77, %mul3A_69 : vector<200x64xf32>
    %add3A_79 = arith.addf %mul3A_75, %mul3A_78 : vector<200x64xf32>
    %slice3A_80 = vector.extract_strided_slice %get3A_72 {offsets = [0, 2], sizes = [200, 1], strides = [1, 1]} : vector<200x12xf32> to vector<200x1xf32>
    %mul3A_81 = vector.broadcast %slice3A_80 : vector<200x1xf32> to vector<200x64xf32>
    %mul3A_82 = vector.broadcast %get3A_57 : vector<1x64xf32> to vector<200x64xf32>
    %mul3A_83 = arith.mulf %mul3A_81, %mul3A_82 : vector<200x64xf32>
    %add3A_84 = arith.addf %add3A_79, %mul3A_83 : vector<200x64xf32>
    %slice3A_85 = vector.extract_strided_slice %get3A_72 {offsets = [0, 3], sizes = [200, 1], strides = [1, 1]} : vector<200x12xf32> to vector<200x1xf32>
    %add3A_86 = vector.broadcast %slice3A_85 : vector<200x1xf32> to vector<200x64xf32>
    %add3A_87 = arith.addf %add3A_84, %add3A_86 : vector<200x64xf32>
    %swap3A = arith.constant 0 : index
    %swap3A_88 = arith.constant 0 : index
    %swap3A_89 = vector.load %arg12[%swap3A, %swap3A_88] : memref<200x64xf32, #tpu.memory_space<vmem>>, vector<200x64xf32>
    tpu.vector_store %arg12[%swap3A, %swap3A_88], %add3A_87 {strides = array<i32>} : memref<200x64xf32, #tpu.memory_space<vmem>>, vector<200x64xf32>,
    %slice3A_90 = vector.extract_strided_slice %get3A_72 {offsets = [0, 4], sizes = [200, 1], strides = [1, 1]} : vector<200x12xf32> to vector<200x1xf32>
    %mul3A_91 = vector.broadcast %slice3A_90 : vector<200x1xf32> to vector<200x64xf32>
    %mul3A_92 = arith.mulf %mul3A_91, %mul3A_66 : vector<200x64xf32>
    %slice3A_93 = vector.extract_strided_slice %get3A_72 {offsets = [0, 5], sizes = [200, 1], strides = [1, 1]} : vector<200x12xf32> to vector<200x1xf32>
    %mul3A_94 = vector.broadcast %slice3A_93 : vector<200x1xf32> to vector<200x64xf32>
    %mul3A_95 = arith.mulf %mul3A_94, %mul3A_69 : vector<200x64xf32>
    %add3A_96 = arith.addf %mul3A_92, %mul3A_95 : vector<200x64xf32>
    %slice3A_97 = vector.extract_strided_slice %get3A_72 {offsets = [0, 6], sizes = [200, 1], strides = [1, 1]} : vector<200x12xf32> to vector<200x1xf32>
    %mul3A_98 = vector.broadcast %slice3A_97 : vector<200x1xf32> to vector<200x64xf32>
    %mul3A_99 = vector.broadcast %get3A_57 : vector<1x64xf32> to vector<200x64xf32>
    %mul3A_100 = arith.mulf %mul3A_98, %mul3A_99 : vector<200x64xf32>
    %add3A_101 = arith.addf %add3A_96, %mul3A_100 : vector<200x64xf32>
    %slice3A_102 = vector.extract_strided_slice %get3A_72 {offsets = [0, 7], sizes = [200, 1], strides = [1, 1]} : vector<200x12xf32> to vector<200x1xf32>
    %add3A_103 = vector.broadcast %slice3A_102 : vector<200x1xf32> to vector<200x64xf32>
    %add3A_104 = arith.addf %add3A_101, %add3A_103 : vector<200x64xf32>
    %swap3A_105 = arith.constant 0 : index
    %swap3A_106 = arith.constant 0 : index
    %swap3A_107 = vector.load %arg13[%swap3A_105, %swap3A_106] : memref<200x64xf32, #tpu.memory_space<vmem>>, vector<200x64xf32>
    tpu.vector_store %arg13[%swap3A_105, %swap3A_106], %add3A_104 {strides = array<i32>} : memref<200x64xf32, #tpu.memory_space<vmem>>, vector<200x64xf32>,
    %slice3A_108 = vector.extract_strided_slice %get3A_72 {offsets = [0, 8], sizes = [200, 1], strides = [1, 1]} : vector<200x12xf32> to vector<200x1xf32>
    %mul3A_109 = vector.broadcast %slice3A_108 : vector<200x1xf32> to vector<200x64xf32>
    %mul3A_110 = arith.mulf %mul3A_109, %mul3A_66 : vector<200x64xf32>
    %slice3A_111 = vector.extract_strided_slice %get3A_72 {offsets = [0, 9], sizes = [200, 1], strides = [1, 1]} : vector<200x12xf32> to vector<200x1xf32>
    %mul3A_112 = vector.broadcast %slice3A_111 : vector<200x1xf32> to vector<200x64xf32>
    %mul3A_113 = arith.mulf %mul3A_112, %mul3A_69 : vector<200x64xf32>
    %add3A_114 = arith.addf %mul3A_110, %mul3A_113 : vector<200x64xf32>
    %slice3A_115 = vector.extract_strided_slice %get3A_72 {offsets = [0, 10], sizes = [200, 1], strides = [1, 1]} : vector<200x12xf32> to vector<200x1xf32>
    %mul3A_116 = vector.broadcast %slice3A_115 : vector<200x1xf32> to vector<200x64xf32>
    %mul3A_117 = vector.broadcast %get3A_57 : vector<1x64xf32> to vector<200x64xf32>
    %mul3A_118 = arith.mulf %mul3A_116, %mul3A_117 : vector<200x64xf32>
    %add3A_119 = arith.addf %add3A_114, %mul3A_118 : vector<200x64xf32>
    %slice3A_120 = vector.extract_strided_slice %get3A_72 {offsets = [0, 11], sizes = [200, 1], strides = [1, 1]} : vector<200x12xf32> to vector<200x1xf32>
    %add3A_121 = vector.broadcast %slice3A_120 : vector<200x1xf32> to vector<200x64xf32>
    %add3A_122 = arith.addf %add3A_119, %add3A_121 : vector<200x64xf32>
    %swap3A_123 = arith.constant 0 : index
    %swap3A_124 = arith.constant 0 : index
    %swap3A_125 = vector.load %arg14[%swap3A_123, %swap3A_124] : memref<200x64xf32, #tpu.memory_space<vmem>>, vector<200x64xf32>
    tpu.vector_store %arg14[%swap3A_123, %swap3A_124], %add3A_122 {strides = array<i32>} : memref<200x64xf32, #tpu.memory_space<vmem>>, vector<200x64xf32>,
    %swap3A_126 = arith.constant 0 : index
    %swap3A_127 = arith.constant 0 : index
    %swap3A_128 = vector.load %arg15[%swap3A_126, %swap3A_127] : memref<200x64xf32, #tpu.memory_space<vmem>>, vector<200x64xf32>
    tpu.vector_store %arg15[%swap3A_126, %swap3A_127], %div3A_54 {strides = array<i32>} : memref<200x64xf32, #tpu.memory_space<vmem>>, vector<200x64xf32>,
    return
  }
}

</mosaic_0001>

<sc_bundles>
// kernel: kernel.7.cloned.1.call-start
scs
__scs_entry_jumppad:
0x0: {  	(pc) =	sbr.rel $0x88, $3  }
0x1: {  	(tag) =	ssettag $0x0;
	lr =	simm.s32 $0x1  }
0x2: {  	[smem:$0x3F81] =	sst lr;
	_ =	strace $0xD0000000  }
0x3: {  	_ = 	snop  }
0x4: {  	_ = 	snop  }
0x5: {  	_ = 	snop  }
0x6: {  	_ = 	snop  }
0x7: {  	_ = 	snop  }
__scs_overlays_trampoline_lowered:
0x8: {  	[smem:$0x3F90] =	sst s0  }
0x9: {  	[smem:$0x3F91] =	sst s1  }
0xa: {  	[smem:$0x3F92] =	sst s2  }
0xb: {  	[smem:$0x3F93] =	sst s3  }
0xc: {  	[smem:$0x3F94] =	sst s4  }
0xd: {  	[smem:$0x3F95] =	sst s5  }
0xe: {  	[smem:$0x3F96] =	sst s6  }
0xf: {  	[smem:$0x3F97] =	sst s7  }
0x10: {  	[smem:$0x3F98] =	sst s8  }
0x11: {  	[smem:$0x3F99] =	sst s9;
	s0 =	simm.s32 @!p0 $0x0  }
0x12: {  	s1 =	sld [smem:$0x3F7F];
	s0 =	simm.s32 @p0 $0x1  }
0x13: {  	[smem:$0x3F9A] =	sst s0;
	s0 =	simm.s32 @!p1 $0x0  }
0x14: {  	s2 =	sld [smem:$0x3F7E];
	s0 =	simm.s32 @p1 $0x1  }
0x15: {  	[smem:$0x3F9B] =	sst s0;
	s0 =	simm.s32 @!p2 $0x0  }
0x16: {  	s3 =	sld [smem:$0x3FDB];
	s0 =	simm.s32 @p2 $0x1  }
0x17: {  	s4 =	simm.s32 $0x1BF5;
	[smem:$0x3F9D] =	sst s0  }
0x18: {  	s0 =	sld [smem:$0x3F80];
	_ =	swait.ge [sflag:s4], $0x0  }
0x19: {  	s7 =	sld [smem:$0x3F81]  }
0x1a: {  	s8 =	sadd.s32 $0xFFFFE003, lr  }
0x1b: {  	s9 =	sadd.s32 $0xFFFFFEF7, lr;
	s5 =	simm.s32 $0xFFFFFFFF;
	p2 =	slt.u32 s8, $0xFFFFF086  }
0x1c: {  	p1 =	slt.u32 s9, $0xF7A;
	s5 =	simm.s32 @!p2 $0x0  }
0x1d: {  	s5 =	simm.s32 @p1 $0x1;
	p0 =	seq.s32 s7, s2  }
0x1e: {  	s7 =	smul.u32 @!p0 $0xF7A, s2;
	p2 =	seq.s32 @!p0 s5, $0x0  }
0x1f: {  	s9 =	smul.u32 $0xF7A, s1;
	s8 =	simm.s32 @!p0 $0x1BF5;
	p2 =	por !p2, p0  }
0x20: {  	[sflag:s8] =	ssyncset.s32 @!p0 $0xFFFFF086;
	s6 =	sadd.s32 @!p0 s3, s7;
	s7 =	simm.s32 @!p0 $0x108  }
0x21: {  	s3 =	sadd.s32 s3, s9;
	s6 =	sadd.s32 @!p0 $0x88, s6;
	s7 =	simm.s32 @p2 $0x1082  }
0x22: {  	[simem:s7], [sflag:s8] =	dma.local @!p0 [hbm:s6], $0xF7A  }
0x23: {  	s9 =	sor.u32 $0xD0000000, s2;
	s6 =	simm.s32 $0x108;
	_ =	swait.ge @!p0 [sflag:s8], $0x0  }
0x24: {  	s3 =	sadd.s32 $0x88, s3;
	s6 =	simm.s32 @!p1 $0x1082;
	[sflag:s4] =	ssyncset.s32 $0xFFFFF086  }
0x25: {  	[simem:s6], [sflag:s4] =	dma.local [hbm:s3], $0xF7A  }
0x26: {  	[smem:$0x3F81] =	sst s1;
	(tag) =	ssettag s2;
	_ =	strace s9  }
0x27: {  	s1 =	sld [smem:$0x3F91]  }
0x28: {  	s2 =	sld [smem:$0x3F92]  }
0x29: {  	s4 =	sld [smem:$0x3F94]  }
0x2a: {  	p0 =	seq.s32 s5, $0x0;
	s5 =	sld [smem:$0x3F95]  }
0x2b: {  	s6 =	sld [smem:$0x3F96]  }
0x2c: {  	s7 =	sld [smem:$0x3F97]  }
0x2d: {  	s3 =	simm.s32 $0x108;
	s8 =	sld [smem:$0x3F98]  }
0x2e: {  	s3 =	simm.s32 @!p0 $0x1082;
	s9 =	sld [smem:$0x3F99]  }
0x2f: {  	lr =	sadd.s32 s0, s3;
	s0 =	sld [smem:$0x3F90]  }
0x30: {  	s3 =	sld [smem:$0x3F93]  }
0x31: {  	[smem:$0x3F9C] =	sst s10  }
0x32: {  	s10 =	sld [smem:$0x3F9A];
	_ =	sdelay $0x3  }
0x33: {  	p0 =	seq.s32 s10, $0x1;
	s10 =	sld [smem:$0x3F9C];
	_ =	sdelay $0x3  }
0x34: {  	[smem:$0x3F9C] =	sst s10  }
0x35: {  	s10 =	sld [smem:$0x3F9B];
	_ =	sdelay $0x3  }
0x36: {  	p1 =	seq.s32 s10, $0x1;
	s10 =	sld [smem:$0x3F9C];
	_ =	sdelay $0x3  }
0x37: {  	[smem:$0x3F9C] =	sst s10  }
0x38: {  	s10 =	sld [smem:$0x3F9D]  }
0x39: {  	_ = 	snop;
	(pc) =	sbr.ind lr, $3  }
0x3a: {  	_ = 	snop  }
0x3b: {  	_ = 	snop  }
0x3c: {  	p2 =	seq.s32 s10, $0x1;
	s10 =	sld [smem:$0x3F9C]  }
0x3d: {  	_ =	shalt  }
0x3e: {  	_ =	shalt  }
0x3f: {  	_ =	shalt  }
0x40: {  	_ =	shalt  }
0x41: {  	_ =	shalt  }
0x42: {  	_ =	shalt  }
0x43: {  	_ =	shalt  }
0x44: {  	_ =	shalt  }
0x45: {  	_ =	shalt  }
0x46: {  	_ =	shalt  }
0x47: {  	_ =	shalt  }
0x48: {  	_ =	shalt  }
0x49: {  	_ =	shalt  }
0x4a: {  	_ =	shalt  }
0x4b: {  	_ =	shalt  }
0x4c: {  	_ =	shalt  }
0x4d: {  	_ =	shalt  }
0x4e: {  	_ =	shalt  }
0x4f: {  	_ =	shalt  }
0x50: {  	_ =	shalt  }
0x51: {  	_ =	shalt  }
0x52: {  	_ =	shalt  }
0x53: {  	_ =	shalt  }
0x54: {  	_ =	shalt  }
0x55: {  	_ =	shalt  }
0x56: {  	_ =	shalt  }
0x57: {  	_ =	shalt  }
0x58: {  	_ =	shalt  }
0x59: {  	_ =	shalt  }
0x5a: {  	_ =	shalt  }
0x5b: {  	_ =	shalt  }
0x5c: {  	_ =	shalt  }
0x5d: {  	_ =	shalt  }
0x5e: {  	_ =	shalt  }
0x5f: {  	_ =	shalt  }
0x60: {  	_ =	shalt  }
0x61: {  	_ =	shalt  }
0x62: {  	_ =	shalt  }
0x63: {  	_ =	shalt  }
0x64: {  	_ =	shalt  }
0x65: {  	_ =	shalt  }
0x66: {  	_ =	shalt  }
0x67: {  	_ =	shalt  }
0x68: {  	_ =	shalt  }
0x69: {  	_ =	shalt  }
0x6a: {  	_ =	shalt  }
0x6b: {  	_ =	shalt  }
0x6c: {  	_ =	shalt  }
0x6d: {  	_ =	shalt  }
0x6e: {  	_ =	shalt  }
0x6f: {  	_ =	shalt  }
0x70: {  	_ =	shalt  }
0x71: {  	_ =	shalt  }
0x72: {  	_ =	shalt  }
0x73: {  	_ =	shalt  }
0x74: {  	_ =	shalt  }
0x75: {  	_ =	shalt  }
0x76: {  	_ =	shalt  }
0x77: {  	_ =	shalt  }
0x78: {  	_ =	shalt  }
0x79: {  	_ =	shalt  }
0x7a: {  	_ =	shalt  }
0x7b: {  	_ =	shalt  }
0x7c: {  	_ =	shalt  }
0x7d: {  	_ =	shalt  }
0x7e: {  	_ =	shalt  }
0x7f: {  	_ =	shalt  }
0x80: {  	_ =	shalt  }
0x81: {  	_ =	shalt  }
0x82: {  	_ =	shalt  }
0x83: {  	_ =	shalt  }
0x84: {  	_ =	shalt  }
0x85: {  	_ =	shalt  }
0x86: {  	_ =	shalt  }
0x87: {  	_ =	shalt  }
.Lfunc_end0:
.L_simem_size_0:
called_computation_lowered:
.L_overlay_start_0:
0x88: {  	s2 =	sld [smem:$0x3FD9]  }
0x89: {  	s3 =	sld [smem:$0x3FFE];
	_ =	sdelay $0x1  }
0x8a: {  	s1 =	srdreg.scid  }
0x8b: {  	s0 =	sand.u32 $0x1, s1  }
0x8c: {  	s14 =	sshll.u32 s0, $0xA;
	s2 =	sadd.s32 s3, s2  }
0x8d: {  	s2 =	sadd.s32 s2, s14  }
0x8e: {  	[smem:$0x3FA8] =	sst s2  }
0x8f: {  	_ = 	snop  }
0x90: {  	s2 =	sld [smem:$0x3FD0];
	_ =	sdelay $0x2  }
0x91: {  	s15 =	simm.s32 $0xA;
	s4 =	simm.s32 $0x10  }
0x92: {  	[smem:s4], [sflag:s15] =	dma.local [hbm:s2], $0x1  }
0x93: {  	_ =	swait.eq [sflag:s15], $0x1  }
0x94: {  	[sflag:s15] =	ssyncset.done $0x0  }
0x95: {  	s16 =	sld [smem:$0x11];
	[sflag:s15] =	ssyncadd.s32 $0xFFFFFFFF  }
0x96: {  	s17 =	sld [smem:$0x14];
	(tm) =	ssettm $0x1  }
0x97: {  	s18 =	sld [smem:$0x3FFB];
	_ =	sdelay $0x3  }
0x98: {  	_ =	strace s18  }
0x99: {  	s4 =	sld [smem:$0x3FFC];
	_ =	sdelay $0x3  }
0x9a: {  	_ =	strace s4  }
0x9b: {  	s4 =	sld [smem:$0x3FFD];
	_ =	sdelay $0x3  }
0x9c: {  	_ =	strace s4  }
0x9d: {  	_ =	strace $0x8FFFFFFF  }
0x9e: {  	s19 =	sld [smem:$0x3FDB];
	_ =	sdelay $0x1  }
0x9f: {  	s5 =	simm.s32 $_scs_section_size  }
0xa0: {  	s6 =	simm.s32 $_size__tile_overlayer_lowered;
	s7 =	simm.s32 $_tile_overlayer_lowered  }
0xa1: {  	s22 =	simm.s32 $0x1BFF;
	s21 =	sshll.u32 s7, $0x1;
	s4 =	sadd.s32 s5, s19  }
0xa2: {  	s8 =	simm.s32 $0x0;
	s20 =	sshll.u32 s6, $0x1;
	s6 =	sadd.s32 s21, s4  }
0xa3: {  	[timem:s8], [sflag:s22] =	dma.local [hbm:s6], s20  }
0xa4: {  	_ =	swait.ge [sflag:s22], s20  }
0xa5: {  	s5 =	ssub.s32 $0x0, s20;
	[sflag:s22] =	ssyncset.done $0x0  }
0xa6: {  	[sflag:s22] =	ssyncadd.s32 s5;
	_ =	sdelay $0x1  }
0xa7: {  	s23 =	simm.s32 $0x1B8B  }
0xa8: {  	_ =	swait.ge [sflag:s23], $0x1  }
0xa9: {  	[sflag:s23] =	ssyncset.done $0x0  }
0xaa: {  	s25 =	simm.s32 $0x1B8E;
	s24 =	sld [smem:$0x3FFE];
	[sflag:s23] =	ssyncadd.s32 $0xFFFFFFFF  }
0xab: {  	s26 =	simm.s32 $execute0_lowered;
	[smem:$0x3FD2] =	sst s25  }
0xac: {  	s6 =	sshll.u32 s26, $0x1;
	_ =	strace $0x80000046;
	[dreg:$0x1] =	wrdreg $0xFFFFFFFF  }
0xad: {  	s28 =	simm.s32 $_size_execute0_lowered;
	s4 =	sadd.s32 s4, s6;
	[dreg:$0x0] =	wrdreg $0x0  }
0xae: {  	s6 =	sshll.u32 s28, $0x1;
	[dreg:$0x2] =	wrdreg s4  }
0xaf: {  	[dreg:$0x3] =	wrdreg s6  }
0xb0: {  	[dreg:$0x4] =	wrdreg $0xC0  }
0xb1: {  	_ =	task [dreg:s8], $0x5FFFF  }
0xb2: {  	[dreg:$0x1] =	wrdreg $0xFFFFFFFF  }
0xb3: {  	[dreg:$0x0] =	wrdreg $0x60  }
0xb4: {  	[dreg:$0x2] =	wrdreg s24  }
0xb5: {  	[dreg:$0x3] =	wrdreg s16  }
0xb6: {  	[dreg:$0x4] =	wrdreg s17  }
0xb7: {  	[dreg:$0x5] =	wrdreg $0x9  }
0xb8: {  	_ =	task.clear_ibuf [dreg:s8], $0x6FFFF;
	_ =	strace $0x90000046  }
0xb9: {  	s29 =	simm.s32 $0x9;
	_ =	strace $0x80000048  }
0xba: {  	_ =	swait.ge [sflag:s29], $0x1  }
0xbb: {  	[sflag:s29] =	ssyncadd.s32 $0xFFFFFFFF  }
0xbc: {  	_ =	strace $0x90000048  }
0xbd: {  	_ =	sfence  }
0xbe: {  	s30 =	sld [smem:$0x0];
	_ =	sdelay $0x2  }
0xbf: {  	s31 =	sshll.u32 s1, $0xD;
	s1 =	sshrl.u32 s1, $0x2  }
0xc0: {  	s3 =	sand.u32 $0x4000, s31;
	s1 =	sadd.s32 s1, s30  }
0xc1: {  	s0 =	sor.u32 s3, s0;
	s1 =	sshll.u32 s1, $0x11  }
0xc2: {  	s0 =	sor.u32 s1, s0  }
0xc3: {  	s0 =	sadd.s32 $0x8F2B, s0  }
0xc4: {  	[sflag:s0] =	ssyncadd.remote.s32 $0x1  }
0xc5: {  	_ =	sfence.sel $0xFFFF  }
0xc6: {  	[dreg:$0x0] =	wrdreg $0xFFFFFFFF;
	(pc) =	sbr.abs _section_cstart, $3  }
0xc7: {  	[dreg:$0x1] =	wrdreg $0xFFFFFFFF  }
0xc8: {  	_ =	task.clear_ibuf [dreg:s8], $0x2FFFF;
	_ =	strace $0x9FFFFFFF  }
0xc9: {  	(tm) =	ssettm $0x7FFFFFFF  }
tec
execute0_lowered:
.L_overlay_start_1:
0x0: {  	(tag) =	ssettag $0x1  }
0x1: {  	s0 =	srdreg.scid  }
0x2: {  	s6 =	sand.u32 $0x1, s0  }
0x3: {  	s1 =	stileid.u32;
	s4 =	sshll.u32 s6, $0x4  }
0x4: {  	s9 =	sor.u32 s1, s4  }
0x5: {  	p0 =	sgt.u32 s9, $0x18  }
.Ltmp0:
0x6: {  	s5 =	rddreg [dreg:$0x0];
	(pc) =	sbr.rel @p0 .LBB2_4-.Ltmp0, $4  }
0x7: {  	s3 =	rddreg [dreg:$0x1]  }
0x8: {  	s8 =	rddreg [dreg:$0x2];
	s2 =	simm.s32 $0x0  }
0x9: {  	[smem:$0x7FF] =	sst s2  }
0xa: {  	s0 =	rddreg [dreg:$0x3];
	_ =	strace $0x80000047  }
0xb: {  	s4 =	sadd.s32 s3, s9;
	s3 =	simm.s32 $0x2  }
0xc: {  	[tilespmem:s2], [sflag:$0x2] =	stream.linear.gather [hbm4b:s4+s2], $0x8, $0x38;
	[tilespmem:$0x880] =	vst v63  }
0xd: {  	_ =	swait.ge [sflag:s3], $0x8  }
0xe: {  	[sflag:s3] =	ssyncset.done $0x0  }
0xf: {  	[sflag:s3] =	ssyncadd.s32 $0xFFFFFFF8  }
0x10: {  	v0 =	vld.msk [tilespmem:$0x0], $0xff;
	_ =	sdelay $0x4  }
0x11: {  	v1 =	vshll.u32 v0, $0x1  }
0x12: {  	v2 =	vlaneseq.u32;
	v3 =	vand.u32 $0x7, v0;
	v1 =	vand.u32 $0xFFFFFFF0, v1  }
0x13: {  	v0 =	vand.u32 $0x7, v2;
	v2 =	vshrl.u32 v2, $0x3;
	v3 =	vor.u32 v3, v1  }
0x14: {  	v1 =	vmul.u32 $0x8, v2;
	v2 =	vperm.xlane v3, v0;
	_ =	sdelay $0x1  }
0x15: {  	v2 =	vadd.s32 v1, v2  }
0x16: {  	s10 =	ssub.s32 $0x2, s6  }
0x17: {  	s11 =	sshrl.u32 s10, $0x1  }
0x18: {  	s5 =	sadd.s32 $0x1B2C00, s5;
	s10 =	ssub.s32 s10, s11  }
0x19: {  	vm0 =	vmmov $0xffff;
	s6 =	simm.s32 $0x80;
	s7 =	simm.s32 $0x1;
	s31 =	smax.u32 s10, $0x1  }
0x1a: {  	[tilespmem:s6], [sflag:$0x1] =	stream.indirect_vreg.gather [hbm4b:s5+s2], $0x80, v2, vm0, $0xb8;
	[tilespmem:$0x880] =	vst v63  }
0x1b: {  	p0 =	sne.s32 s31, $0x1;
	_ =	swait.ge [sflag:s7], $0x800  }
.Ltmp1:
0x1c: {  	s30 =	sshll.u32 s9, $0x8;
	[sflag:s7] =	ssyncset.done $0x0;
	(pc) =	sbr.rel @!p0 .LBB2_3-.Ltmp1, $4  }
0x1d: {  	s8 =	sadd.s32 s8, s30;
	[sflag:s7] =	ssyncadd.s32 $0xFFFFF800  }
0x1e: {  	[hbm4b:s8+s2] =	stream.linear.scatter [tilespmem:s6], [sflag:$0x2], $0x800, $0x38;
	[tilespmem:$0x880] =	vst v63  }
0x1f: {  	_ =	swait.ge [sflag:s3], $0x800  }
0x20: {  	s9 =	sadd.s32 $0xFFFFFFFF, s31;
	[sflag:s3] =	ssyncset.done $0x0  }
.LBB2_2:
0x21: {  	p0 =	sne.s32 s9, $0x1;
	s9 =	sadd.s32 $0xFFFFFFFF, s9;
	[sflag:s3] =	ssyncadd.s32 $0xFFFFF800  }
0x22: {  	[tilespmem:s2], [sflag:$0x2] =	stream.linear.gather [hbm4b:s4+s2], $0x8, $0x38;
	[tilespmem:$0x880] =	vst v63  }
0x23: {  	_ =	swait.ge [sflag:s3], $0x8  }
0x24: {  	[sflag:s3] =	ssyncset.done $0x0  }
0x25: {  	[sflag:s3] =	ssyncadd.s32 $0xFFFFFFF8  }
0x26: {  	v2 =	vld.msk [tilespmem:$0x0], $0xff;
	_ =	sdelay $0x4  }
0x27: {  	v3 =	vshll.u32 v2, $0x1  }
0x28: {  	v2 =	vand.u32 $0x7, v2;
	v3 =	vand.u32 $0xFFFFFFF0, v3  }
0x29: {  	v2 =	vor.u32 v2, v3  }
0x2a: {  	v2 =	vperm.xlane v2, v0;
	_ =	sdelay $0x1  }
0x2b: {  	v2 =	vadd.s32 v1, v2;
	_ =	sdelay $0x4  }
0x2c: {  	[tilespmem:s6], [sflag:$0x1] =	stream.indirect_vreg.gather [hbm4b:s5+s2], $0x80, v2, vm0, $0xb8;
	[tilespmem:$0x880] =	vst v63  }
0x2d: {  	_ =	swait.ge [sflag:s7], $0x800  }
.Ltmp2:
0x2e: {  	[sflag:s7] =	ssyncset.done $0x0;
	(pc) =	sbr.rel @p0 .LBB2_2-.Ltmp2, $4  }
0x2f: {  	[sflag:s7] =	ssyncadd.s32 $0xFFFFF800  }
0x30: {  	[hbm4b:s8+s2] =	stream.linear.scatter [tilespmem:s6], [sflag:$0x2], $0x800, $0x38;
	[tilespmem:$0x880] =	vst v63  }
0x31: {  	_ =	swait.ge [sflag:s3], $0x800  }
0x32: {  	[sflag:s3] =	ssyncset.done $0x0  }
.LBB2_3:
0x33: {  	[sflag:s3] =	ssyncadd.s32 $0xFFFFF800  }
.LBB2_4:
0x34: {  	_ =	sfence.sel $0x180000  }
0x35: {  	[bflag:$0x0] =	sbarrier.arrive $0xFFFF  }
0x36: {  	p0 =	sne.s32 s1, $0x0;
	_ =	strace $0x90000047  }
0x37: {  	s0 =	sadd.s32 @!p0 $0x100000, s0;
	[bflag:$0x2] =	sbarrier.arrive $0xFFFF  }
0x38: {  	[sflag:s0] =	ssyncadd.tile.s32 @!p0 $0x1;
	_ =	shalt  }
.Lfunc_end2:
_tile_overlayer_lowered:
.L_overlay_start_2:
0x39: {  	(tag) =	ssettag $0x2  }
0x3a: {  	s0 =	rddreg [dreg:$0x0];
	s2 =	stileid.u32  }
0x3b: {  	s1 =	rddreg [dreg:$0x1];
	p0 =	sne.s32 s2, $0x0  }
0x3c: {  	s3 =	rddreg [dreg:$0x2];
	[bflag:$0x3] =	sbarrier.arrive $0xFFFF;
	s2 =	simm.s32 @!p0 $0x1C02  }
0x3d: {  	[timem:s3], [sflag:s2] =	dma.local @!p0 [hbm:s0], s1  }
0x3e: {  	s0 =	simm.s32 @!p0 $0x2  }
0x3f: {  	_ =	swait.ge @!p0 [sflag:s0], s1  }
0x40: {  	s1 =	ssub.s32 @!p0 $0x0, s1;
	[sflag:s0] =	ssyncset.done @!p0 $0x0  }
0x41: {  	[sflag:s0] =	ssyncadd.s32 @!p0 s1  }
0x42: {  	[bflag:$0x3] =	sbarrier.arrive $0xFFFF  }
0x43: {  	_ =	shalt  }

</sc_bundles>
